<compile_context>
chip_gen: v7x
topology: tpu7x:2x2x1
jax: 0.10.2.dev20260603
libtpu: 0.0.44.dev20260713+nightly
codegen_flags: <defaults>
</compile_context>

<pallas_src>
import dataclasses
import functools

import jax
import jax.numpy as jnp
from jax import lax
from jax.experimental import pallas as pl
from jax.experimental.pallas import tpu as pltpu
from jax.experimental.pallas import tpu_sc as plsc

NC = 2
NS = 16
NW = NC * NS
CH = 128
SEG_CH = 128
SEG_G = 4


def _sc_segment(features, src2d, dst2d, zrow, zdeg, n_pad, c0, c1):
    d = features.shape[1]
    rows_w = n_pad // NS
    mesh = plsc.VectorSubcoreMesh(core_axis_name="core", subcore_axis_name="subcore",
                                  num_cores=NC, num_subcores=NS)
    cp = pltpu.CompilerParams()
    if "needs_layout_passes" in pltpu.CompilerParams.__dataclass_fields__:
        cp = dataclasses.replace(cp, needs_layout_passes=False)

    @functools.partial(
        pl.kernel,
        out_type=[
            jax.ShapeDtypeStruct((NC, n_pad, d), jnp.float32),
            jax.ShapeDtypeStruct((NW, n_pad), jnp.float32),
        ],
        mesh=mesh,
        compiler_params=cp,
        scratch_types=[
            pltpu.VMEM((SEG_G, SEG_CH), jnp.int32),
            pltpu.VMEM((SEG_G, SEG_CH), jnp.int32),
            pltpu.VMEM((2, SEG_CH, d), jnp.float32),
            pltpu.VMEM((n_pad,), jnp.float32),
            pltpu.VMEM_SHARED((n_pad, d), jnp.float32),
            pltpu.SemaphoreType.DMA,
            pltpu.SemaphoreType.DMA,
        ],
    )
    def seg_kernel(feat_hbm, src_hbm, dst_hbm, zrow_hbm, zdeg_hbm,
                   msg_out, deg_out, src_idx, dst_idx, rows, hist,
                   acc_sh, sem0, sem1):
        core = lax.axis_index("core")
        sub = lax.axis_index("subcore")
        wid = core * NS + sub
        ones16 = jnp.ones((16,), jnp.float32)
        my_chunks = jnp.where(core == 0, c0, c1)
        my_start = sub * my_chunks + core * (NS * c0)
        my_groups = my_chunks // SEG_G

        pltpu.sync_copy(zrow_hbm, acc_sh.at[pl.ds(sub * rows_w, rows_w)])
        pltpu.sync_copy(zdeg_hbm, hist)

        plsc.subcore_barrier()

        def hist_update(c):
            for j in range(SEG_CH // 16):
                idx = dst_idx[c, pl.ds(j * 16, 16)]
                plsc.addupdate_scatter(hist, [idx], ones16)

        @pl.loop(0, max(c0, c1) // SEG_G)
        def _(g):
            @pl.when(g < my_groups)
            def _():
                base = my_start + g * SEG_G
                pltpu.sync_copy(src_hbm.at[pl.ds(base, SEG_G)], src_idx)
                pltpu.sync_copy(dst_hbm.at[pl.ds(base, SEG_G)], dst_idx)

                @pl.loop(0, SEG_G, step=2)
                def _(c):
                    d0 = pltpu.async_copy(feat_hbm.at[src_idx.at[c]], rows.at[0], sem0)
                    d1 = pltpu.async_copy(feat_hbm.at[src_idx.at[c + 1]], rows.at[1], sem1)
                    hist_update(c)
                    d0.wait()
                    pltpu.sync_copy(rows.at[0], acc_sh.at[dst_idx.at[c]], add=True)
                    hist_update(c + 1)
                    d1.wait()
                    pltpu.sync_copy(rows.at[1], acc_sh.at[dst_idx.at[c + 1]], add=True)

        plsc.subcore_barrier()

        sl = pl.ds(sub * rows_w, rows_w)
        pltpu.sync_copy(acc_sh.at[sl], msg_out.at[core].at[sl])
        pltpu.sync_copy(hist, deg_out.at[wid])

    return seg_kernel(features, src2d, dst2d, zrow, zdeg)


def _tc_h_body(msg_ref, deg_ref, we_ref, wg_ref, be_ref, bg_ref, h_ref):
    p = msg_ref[0] + msg_ref[1]
    deg = jnp.sum(deg_ref[...], axis=1, keepdims=True)
    mean = p / jnp.maximum(deg, 1.0)
    wc = jnp.dot(we_ref[...], wg_ref[...], preferred_element_type=jnp.float32)
    bias = jnp.dot(be_ref[...], wg_ref[...], preferred_element_type=jnp.float32)
    pre = jnp.dot(mean, wc, preferred_element_type=jnp.float32)
    pre = pre + jnp.where(deg > 0, 1.0, 0.0) * bias + bg_ref[...]
    h_ref[...] = jnp.maximum(pre, 0.0)


def _tc_h(msg_part, deg_part, w_enc, w_g, b_enc, b_g, n_pad):
    d = w_enc.shape[0]
    h = w_g.shape[1]
    chunk = 1280
    grid = n_pad // chunk
    return pl.pallas_call(
        _tc_h_body,
        grid=(grid,),
        in_specs=[
            pl.BlockSpec((NC, chunk, d), lambda i: (0, i, 0)),
            pl.BlockSpec((chunk, NW), lambda i: (i, 0)),
            pl.BlockSpec((d, h), lambda i: (0, 0)),
            pl.BlockSpec((h, h), lambda i: (0, 0)),
            pl.BlockSpec((1, h), lambda i: (0, 0)),
            pl.BlockSpec((1, h), lambda i: (0, 0)),
        ],
        out_specs=pl.BlockSpec((chunk, h), lambda i: (i, 0)),
        out_shape=jax.ShapeDtypeStruct((n_pad, h), jnp.float32),
    )(msg_part, deg_part, w_enc, w_g, b_enc, b_g)


def _sc_gather(h_arr, idx_row, tot_pad):
    d = h_arr.shape[1]
    mesh = plsc.VectorSubcoreMesh(core_axis_name="core", subcore_axis_name="subcore",
                                  num_cores=NC, num_subcores=NS)

    @functools.partial(
        pl.kernel,
        out_type=jax.ShapeDtypeStruct((tot_pad, d), jnp.float32),
        mesh=mesh,
    )
    def gather_kernel(h_hbm, i_hbm, o_hbm):
        def body(i_vmem, o_vmem):
            pltpu.sync_copy(h_hbm.at[i_vmem.at[0]], o_vmem)

        pltpu.emit_pipeline(
            body,
            grid=(tot_pad // CH,),
            in_specs=[pl.BlockSpec((1, CH), index_map=lambda i: (0, i))],
            out_specs=[pl.BlockSpec((CH, d), index_map=lambda i: (i, 0))],
            core_axis_name=("core", "subcore"),
            dimension_semantics=(pltpu.PARALLEL,),
        )(i_hbm, o_hbm)

    return gather_kernel(h_arr, idx_row)


def _softplus(x):
    return jnp.maximum(x, 0.0) + jnp.log1p(jnp.exp(-jnp.abs(x)))


def _tc_loss_body(k, inv_p, a_ref, b_ref, c_ref, w_ref, out_ref):
    a = a_ref[...]
    b = b_ref[...]
    pos = jnp.sum(a * b, axis=1, keepdims=True)
    pc, d = a.shape
    c3 = c_ref[...].reshape(pc, k, d)
    neg = jnp.sum(a[:, None, :] * c3, axis=2)
    li = _softplus(-pos) + jnp.sum(_softplus(neg), axis=1, keepdims=True)
    contrib = jnp.sum(li * w_ref[...], keepdims=True) * inv_p

    @pl.when(pl.program_id(0) == 0)
    def _():
        out_ref[...] = jnp.zeros_like(out_ref)

    out_ref[...] += contrib


def _tc_loss(gath, pw_col, p, k, d):
    pc = 1000
    grid = p // pc
    body = functools.partial(_tc_loss_body, k, 1.0 / p)
    return pl.pallas_call(
        body,
        grid=(grid,),
        in_specs=[
            pl.BlockSpec((pc, d), lambda i: (i, 0)),
            pl.BlockSpec((pc, d), lambda i: (i + grid, 0)),
            pl.BlockSpec((pc * k, d), lambda i: (i + 2, 0)),
            pl.BlockSpec((pc, 1), lambda i: (i, 0)),
        ],
        out_specs=pl.BlockSpec((1, 1), lambda i: (0, 0)),
        out_shape=jax.ShapeDtypeStruct((1, 1), jnp.float32),
        compiler_params=pltpu.CompilerParams(dimension_semantics=("arbitrary",)),
    )(gath, gath, gath, pw_col)


def kernel(features, edge_index, pos_src, pos_dst, pos_weight, neg_dst,
           neg_sample_size, W_enc, b_enc, W_g, b_g):
    n, d = features.shape
    e = edge_index.shape[1]
    p = pos_src.shape[0]
    k = neg_dst.shape[0] // p
    h_dim = W_g.shape[1]

    n_pad = (n // 2048 + 1) * 2048
    total_chunks = -(-e // SEG_CH)
    total_chunks = -(-total_chunks // (2 * NS * SEG_G)) * (2 * NS * SEG_G)
    per_core = total_chunks // NS
    c0 = ((per_core * 27) // (40 * SEG_G)) * SEG_G
    c1 = per_core - c0
    e_pad = total_chunks * SEG_CH

    src = edge_index[0]
    dst = edge_index[1]
    pad = e_pad - e
    src_p = jnp.concatenate([src, jnp.zeros((pad,), jnp.int32)])
    dst_pad = n + (jnp.arange(pad, dtype=jnp.int32) % (n_pad - n))
    dst_p = jnp.concatenate([dst, dst_pad])
    src2d = src_p.reshape(e_pad // SEG_CH, SEG_CH)
    dst2d = dst_p.reshape(e_pad // SEG_CH, SEG_CH)

    zrow = jnp.zeros((n_pad // NS, d), jnp.float32)
    zdeg = jnp.zeros((n_pad,), jnp.float32)

    msg_part, deg_part = _sc_segment(features, src2d, dst2d, zrow, zdeg,
                                     n_pad, c0, c1)

    h_nodes = _tc_h(msg_part, deg_part.T, W_enc, W_g,
                    b_enc.reshape(1, h_dim), b_g.reshape(1, h_dim), n_pad)

    tot = 2 * p + p * k
    tot_pad = -(-tot // (NW * CH)) * NW * CH
    idx = jnp.concatenate([pos_src, pos_dst, neg_dst,
                           jnp.zeros((tot_pad - tot,), jnp.int32)])
    gath = _sc_gather(h_nodes, idx.reshape(1, tot_pad), tot_pad)

    loss = _tc_loss(gath, pos_weight.reshape(p, 1), p, k, h_dim)
    return loss.reshape(())

# --- scband reference (transcript-rebuilt; emitter-appended) ---
"""Pipeline reference for scband-gnnrec-48515950576169 (READ-ONLY COPY).

The authoritative reference and input builder live on the scoring server;
editing this copy changes nothing except your own understanding.
"""

import jax, jax.numpy as jnp
import numpy as np

N = 10000
E = 320000
D = 128
H = 128
P = 10000
K = 10


def setup_inputs(seed: int = 0) -> dict:
    key = jax.random.key(seed)
    ks = jax.random.split(key, 12)
    features = jax.random.normal(ks[0], (N, D), dtype=jnp.float32)
    edge_index = jax.random.randint(ks[1], (2, E), 0, N, dtype=jnp.int32)
    pos_src = jax.random.randint(ks[2], (P,), 0, N, dtype=jnp.int32)
    pos_dst = jax.random.randint(ks[3], (P,), 0, N, dtype=jnp.int32)
    pos_weight = jax.random.uniform(ks[4], (P,), dtype=jnp.float32)
    neg_dst = jax.random.randint(ks[5], (P * K,), 0, N, dtype=jnp.int32)
    # learned parameters
    W_enc = jax.random.normal(ks[6], (D, H), dtype=jnp.float32) * (1.0 / np.sqrt(D))
    b_enc = jnp.zeros((H,), dtype=jnp.float32)
    W_g = jax.random.normal(ks[7], (H, H), dtype=jnp.float32) * (1.0 / np.sqrt(H))
    b_g = jnp.zeros((H,), dtype=jnp.float32)
    return {
        "features": features,
        "edge_index": edge_index,
        "pos_src": pos_src,
        "pos_dst": pos_dst,
        "pos_weight": pos_weight,
        "neg_dst": neg_dst,
        "neg_sample_size": K,
        "W_enc": W_enc,
        "b_enc": b_enc,
        "W_g": W_g,
        "b_g": b_g,
    }


def reference(features, edge_index, pos_src, pos_dst, pos_weight, neg_dst,
              neg_sample_size, W_enc, b_enc, W_g, b_g):
    # EncodeLayer: linear projection
    emb = features @ W_enc + b_enc
    # gconv_model: single-layer mean-aggregation graph conv over conv_g
    src = edge_index[0]
    dst = edge_index[1]
    n_nodes = features.shape[0]
    msg = jax.ops.segment_sum(emb[src], dst, num_segments=n_nodes)
    deg = jax.ops.segment_sum(jnp.ones((src.shape[0],), emb.dtype), dst,
                              num_segments=n_nodes)
    h = msg / jnp.maximum(deg, 1.0)[:, None]
    h = jax.nn.relu(h @ W_g + b_g)
    # score_func: dot-product scores on pos/neg loss-graph edges
    pos_score = jnp.sum(h[pos_src] * h[pos_dst], axis=-1)
    k = neg_dst.shape[0] // pos_src.shape[0]
    neg_src = jnp.repeat(pos_src, neg_sample_size,
                         total_repeat_length=pos_src.shape[0] * k)
    neg_score = jnp.sum(h[neg_src] * h[neg_dst], axis=-1).reshape(-1, k)
    # NCE loss: -logsigmoid(pos) - sum logsigmoid(-neg)
    loss = -jax.nn.log_sigmoid(pos_score) - jnp.sum(jax.nn.log_sigmoid(-neg_score), axis=1)
    return jnp.mean(loss * pos_weight)

if __name__ == "__main__":
    import jax
    _d = setup_inputs()
    print(jax.jit(kernel)(*tuple(_d.values())))

</pallas_src>

<mosaic_0001>
#map = affine_map<(d0, d1) -> (0, 0)>
#map1 = affine_map<(d0, d1) -> (0)>
#map2 = affine_map<(d0, d1) -> (0, 0, 0)>
module attributes {stable_mosaic.version = 14 : i64} {
  func.func @seg_kernel(%arg0: i32, %arg1: i32, %arg2: memref<10000x128xf32, #tpu.memory_space<hbm>>, %arg3: memref<2560x128xi32, #tpu.memory_space<hbm>>, %arg4: memref<2560x128xi32, #tpu.memory_space<hbm>>, %arg5: memref<640x128xf32, #tpu.memory_space<hbm>>, %arg6: memref<10240xf32, #tpu.memory_space<hbm>>, %arg7: memref<2x10240x128xf32, #tpu.memory_space<hbm>>, %arg8: memref<32x10240xf32, #tpu.memory_space<hbm>>, %arg9: memref<4x128xi32, #tpu.memory_space<vmem>>, %arg10: memref<4x128xi32, #tpu.memory_space<vmem>>, %arg11: memref<2x128x128xf32, #tpu.memory_space<vmem>>, %arg12: memref<10240xf32, #tpu.memory_space<vmem>>, %arg13: memref<10240x128xf32, #tpu.memory_space<vmem_shared>>, %arg14: memref<!tpu.dma_semaphore, #tpu.memory_space<semaphore_mem>>, %arg15: memref<!tpu.dma_semaphore, #tpu.memory_space<semaphore_mem>>) attributes {dimension_semantics = [#tpu.dimension_semantics<core_parallel>, #tpu.dimension_semantics<subcore_parallel>], iteration_bounds = array<i64: 2, 16>, scalar_prefetch = 0 : i64, scratch_operands = 7 : i64, tpu.core_type = #tpu.core_type<sc_vector_subcore>, window_params = [{transform_indices = #map}, {transform_indices = #map}, {transform_indices = #map}, {transform_indices = #map}, {transform_indices = #map1}, {transform_indices = #map2}, {transform_indices = #map}]} {
    %mul3A = arith.constant 16 : i32
    %mul3A_0 = arith.muli %arg0, %mul3A : i32
    %add3A = arith.addi %mul3A_0, %arg1 : i32
    %broadcast_in_dim3A = arith.constant 1.000000e+00 : f32
    %broadcast_in_dim3A_1 = vector.broadcast %broadcast_in_dim3A : f32 to vector<16xf32>
    %eq3A = arith.constant 0 : i32
    %eq3A_2 = arith.cmpi eq, %arg0, %eq3A : i32
    %jit3A = arith.constant 108 : i32
    %jit3A_3 = arith.constant 52 : i32
    %select_n3A = arith.select %eq3A_2, %jit3A, %jit3A_3 : i32
    %mul3A_4 = arith.muli %arg1, %select_n3A : i32
    %mul3A_5 = arith.constant 1728 : i32
    %mul3A_6 = arith.muli %arg0, %mul3A_5 : i32
    %add3A_7 = arith.addi %mul3A_4, %mul3A_6 : i32
    %jit3A_8 = arith.constant 4 : i32
    %div3A = arith.divsi %select_n3A, %jit3A_8 : i32
    %sign3A = arith.constant 0 : i32
    %sign3A_9 = arith.cmpi sgt, %select_n3A, %sign3A : i32
    %sign3A_10 = arith.extui %sign3A_9 : i1 to i32
    %sign3A_11 = arith.constant 0 : i32
    %sign3A_12 = arith.cmpi slt, %select_n3A, %sign3A_11 : i32
    %sign3A_13 = arith.extui %sign3A_12 : i1 to i32
    %sign3A_14 = arith.subi %sign3A_10, %sign3A_13 : i32
    %sign3A_15 = arith.constant 0 : i32
    %sign3A_16 = arith.cmpi sgt, %jit3A_8, %sign3A_15 : i32
    %sign3A_17 = arith.extui %sign3A_16 : i1 to i32
    %sign3A_18 = arith.constant 0 : i32
    %sign3A_19 = arith.cmpi slt, %jit3A_8, %sign3A_18 : i32
    %sign3A_20 = arith.extui %sign3A_19 : i1 to i32
    %sign3A_21 = arith.subi %sign3A_17, %sign3A_20 : i32
    %ne3A = arith.cmpi ne, %sign3A_14, %sign3A_21 : i32
    %rem3A = arith.remsi %select_n3A, %jit3A_8 : i32
    %ne3A_22 = arith.constant 0 : i32
    %ne3A_23 = arith.cmpi ne, %rem3A, %ne3A_22 : i32
    %and3A = arith.andi %ne3A, %ne3A_23 : i1
    %sub3A = arith.constant 1 : i32
    %sub3A_24 = arith.subi %div3A, %sub3A : i32
    %select_n3A_25 = arith.select %and3A, %sub3A_24, %div3A : i32
    %mul3A_26 = arith.constant 640 : i32
    %mul3A_27 = arith.muli %arg1, %mul3A_26 : i32
    "tpu.region"() ({
      %run_scoped3A = tpu.sem_alloc : memref<!tpu.dma_semaphore, #tpu.memory_space<semaphore_mem>>
      %dma_start3A = arith.constant 0 : i32
      %dma_start3A_35 = tpu.memref_slice %arg13[%mul3A_27, %dma_start3A] : memref<10240x128xf32, #tpu.memory_space<vmem_shared>> -> memref<640x128xf32, #tpu.memory_space<vmem_shared>>
      tpu.enqueue_dma source(%arg5 : memref<640x128xf32, #tpu.memory_space<hbm>>) target(%dma_start3A_35 : memref<640x128xf32, #tpu.memory_space<vmem_shared>>) target_semaphore(%run_scoped3A : memref<!tpu.dma_semaphore, #tpu.memory_space<semaphore_mem>>)
      %dma_wait3A = arith.constant 0 : i32
      %dma_wait3A_36 = tpu.memref_slice %arg13[%mul3A_27, %dma_wait3A] : memref<10240x128xf32, #tpu.memory_space<vmem_shared>> -> memref<640x128xf32, #tpu.memory_space<vmem_shared>>
      tpu.wait_dma2 semaphore(%run_scoped3A : memref<!tpu.dma_semaphore, #tpu.memory_space<semaphore_mem>>) src(%arg5 : memref<640x128xf32, #tpu.memory_space<hbm>>) dst(%dma_wait3A_36 : memref<640x128xf32, #tpu.memory_space<vmem_shared>>)
      tpu.yield
    }) : () -> ()
    "tpu.region"() ({
      %run_scoped3A = tpu.sem_alloc : memref<!tpu.dma_semaphore, #tpu.memory_space<semaphore_mem>>
      tpu.enqueue_dma source(%arg6 : memref<10240xf32, #tpu.memory_space<hbm>>) target(%arg12 : memref<10240xf32, #tpu.memory_space<vmem>>) target_semaphore(%run_scoped3A : memref<!tpu.dma_semaphore, #tpu.memory_space<semaphore_mem>>)
      tpu.wait_dma2 semaphore(%run_scoped3A : memref<!tpu.dma_semaphore, #tpu.memory_space<semaphore_mem>>) src(%arg6 : memref<10240xf32, #tpu.memory_space<hbm>>) dst(%arg12 : memref<10240xf32, #tpu.memory_space<vmem>>)
      tpu.yield
    }) : () -> ()
    %barrier3A = arith.constant 0 : index
    tpu.barrier barrier_id(%barrier3A)
    %scan3A = arith.constant 0 : i32
    %scan3A_28 = arith.constant 27 : i32
    %scan3A_29 = arith.addi %scan3A, %scan3A_28 : i32
    %scan3A_30 = arith.constant 1 : i32
    scf.for %scan3A_35 = %scan3A to %scan3A_29 step %scan3A_30  : i32 {
      %mul3A_36 = arith.constant 1 : i32
      %mul3A_37 = arith.muli %scan3A_35, %mul3A_36 : i32
      %add3A_38 = arith.constant 0 : i32
      %add3A_39 = arith.addi %add3A_38, %mul3A_37 : i32
      %lt3A = arith.cmpi slt, %add3A_39, %select_n3A_25 : i32
      %convert_element_type3A = arith.extui %lt3A : i1 to i32
      %cond3A = arith.constant 0 : i32
      %cond3A_40 = arith.cmpi ne, %convert_element_type3A, %cond3A : i32
      scf.if %cond3A_40 {
        %mul3A_41 = arith.constant 4 : i32
        %mul3A_42 = arith.muli %add3A_39, %mul3A_41 : i32
        %add3A_43 = arith.addi %add3A_7, %mul3A_42 : i32
        "tpu.region"() ({
          %run_scoped3A = tpu.sem_alloc : memref<!tpu.dma_semaphore, #tpu.memory_space<semaphore_mem>>
          %dma_start3A = arith.constant 0 : i32
          %dma_start3A_49 = tpu.memref_slice %arg3[%add3A_43, %dma_start3A] : memref<2560x128xi32, #tpu.memory_space<hbm>> -> memref<4x128xi32, #tpu.memory_space<hbm>>
          %dma_start3A_50 = arith.constant 0 : i32
          %dma_start3A_51 = tpu.memref_slice %arg3[%add3A_43, %dma_start3A_50] : memref<2560x128xi32, #tpu.memory_space<hbm>> -> memref<4x128xi32, #tpu.memory_space<hbm>>
          tpu.enqueue_dma source(%dma_start3A_51 : memref<4x128xi32, #tpu.memory_space<hbm>>) target(%arg9 : memref<4x128xi32, #tpu.memory_space<vmem>>) target_semaphore(%run_scoped3A : memref<!tpu.dma_semaphore, #tpu.memory_space<semaphore_mem>>)
          %dma_wait3A = arith.constant 0 : i32
          %dma_wait3A_52 = tpu.memref_slice %arg3[%add3A_43, %dma_wait3A] : memref<2560x128xi32, #tpu.memory_space<hbm>> -> memref<4x128xi32, #tpu.memory_space<hbm>>
          %dma_wait3A_53 = arith.constant 0 : i32
          %dma_wait3A_54 = tpu.memref_slice %arg3[%add3A_43, %dma_wait3A_53] : memref<2560x128xi32, #tpu.memory_space<hbm>> -> memref<4x128xi32, #tpu.memory_space<hbm>>
          tpu.wait_dma2 semaphore(%run_scoped3A : memref<!tpu.dma_semaphore, #tpu.memory_space<semaphore_mem>>) src(%dma_wait3A_54 : memref<4x128xi32, #tpu.memory_space<hbm>>) dst(%arg9 : memref<4x128xi32, #tpu.memory_space<vmem>>)
          tpu.yield
        }) : () -> ()
        "tpu.region"() ({
          %run_scoped3A = tpu.sem_alloc : memref<!tpu.dma_semaphore, #tpu.memory_space<semaphore_mem>>
          %dma_start3A = arith.constant 0 : i32
          %dma_start3A_49 = tpu.memref_slice %arg4[%add3A_43, %dma_start3A] : memref<2560x128xi32, #tpu.memory_space<hbm>> -> memref<4x128xi32, #tpu.memory_space<hbm>>
          %dma_start3A_50 = arith.constant 0 : i32
          %dma_start3A_51 = tpu.memref_slice %arg4[%add3A_43, %dma_start3A_50] : memref<2560x128xi32, #tpu.memory_space<hbm>> -> memref<4x128xi32, #tpu.memory_space<hbm>>
          tpu.enqueue_dma source(%dma_start3A_51 : memref<4x128xi32, #tpu.memory_space<hbm>>) target(%arg10 : memref<4x128xi32, #tpu.memory_space<vmem>>) target_semaphore(%run_scoped3A : memref<!tpu.dma_semaphore, #tpu.memory_space<semaphore_mem>>)
          %dma_wait3A = arith.constant 0 : i32
          %dma_wait3A_52 = tpu.memref_slice %arg4[%add3A_43, %dma_wait3A] : memref<2560x128xi32, #tpu.memory_space<hbm>> -> memref<4x128xi32, #tpu.memory_space<hbm>>
          %dma_wait3A_53 = arith.constant 0 : i32
          %dma_wait3A_54 = tpu.memref_slice %arg4[%add3A_43, %dma_wait3A_53] : memref<2560x128xi32, #tpu.memory_space<hbm>> -> memref<4x128xi32, #tpu.memory_space<hbm>>
          tpu.wait_dma2 semaphore(%run_scoped3A : memref<!tpu.dma_semaphore, #tpu.memory_space<semaphore_mem>>) src(%dma_wait3A_54 : memref<4x128xi32, #tpu.memory_space<hbm>>) dst(%arg10 : memref<4x128xi32, #tpu.memory_space<vmem>>)
          tpu.yield
        }) : () -> ()
        %scan3A_44 = arith.constant 0 : i32
        %scan3A_45 = arith.constant 2 : i32
        %scan3A_46 = arith.addi %scan3A_44, %scan3A_45 : i32
        %scan3A_47 = arith.constant 1 : i32
        scf.for %scan3A_49 = %scan3A_44 to %scan3A_46 step %scan3A_47  : i32 {
          %mul3A_50 = arith.constant 2 : i32
          %mul3A_51 = arith.muli %scan3A_49, %mul3A_50 : i32
          %add3A_52 = arith.constant 0 : i32
          %add3A_53 = arith.addi %add3A_52, %mul3A_51 : i32
          %dma_start3A = arith.constant 0 : i32
          %dma_start3A_54 = arith.constant 0 : i32
          %dma_start3A_55 = arith.constant 0 : i32
          %dma_start3A_56 = tpu.memref_slice %arg11[%dma_start3A, %dma_start3A_54, %dma_start3A_55] : memref<2x128x128xf32, #tpu.memory_space<vmem>> -> memref<1x128x128xf32, #tpu.memory_space<vmem>>
          %dma_start3A_57 = tpu.memref_squeeze %dma_start3A_56 : memref<1x128x128xf32, #tpu.memory_space<vmem>> -> memref<128x128xf32, #tpu.memory_space<vmem>>
          %dma_start3A_58 = arith.constant 0 : i32
          %dma_start3A_59 = tpu.memref_slice %arg9[%add3A_53, %dma_start3A_58] : memref<4x128xi32, #tpu.memory_space<vmem>> -> memref<1x128xi32, #tpu.memory_space<vmem>>
          %dma_start3A_60 = tpu.memref_squeeze %dma_start3A_59 : memref<1x128xi32, #tpu.memory_space<vmem>> -> memref<128xi32, #tpu.memory_space<vmem>>
          %dma_start3A_61 = arith.constant 0 : i32
          %dma_start3A_62 = arith.constant 0 : i32
          %dma_start3A_63 = tpu.memref_slice %arg2[%dma_start3A_61, %dma_start3A_62] : memref<10000x128xf32, #tpu.memory_space<hbm>> -> memref<10000x128xf32, #tpu.memory_space<hbm>>
          tpu.enqueue_indirect_dma source(%dma_start3A_63 : memref<10000x128xf32, #tpu.memory_space<hbm>>) target(%dma_start3A_57 : memref<128x128xf32, #tpu.memory_space<vmem>>) offsets(%dma_start3A_60 : memref<128xi32, #tpu.memory_space<vmem>>) semaphore(%arg14 : memref<!tpu.dma_semaphore, #tpu.memory_space<semaphore_mem>>)
          %add3A_64 = arith.constant 1 : i32
          %add3A_65 = arith.addi %add3A_53, %add3A_64 : i32
          %dma_start3A_66 = arith.constant 1 : i32
          %dma_start3A_67 = arith.constant 0 : i32
          %dma_start3A_68 = arith.constant 0 : i32
          %dma_start3A_69 = tpu.memref_slice %arg11[%dma_start3A_66, %dma_start3A_67, %dma_start3A_68] : memref<2x128x128xf32, #tpu.memory_space<vmem>> -> memref<1x128x128xf32, #tpu.memory_space<vmem>>
          %dma_start3A_70 = tpu.memref_squeeze %dma_start3A_69 : memref<1x128x128xf32, #tpu.memory_space<vmem>> -> memref<128x128xf32, #tpu.memory_space<vmem>>
          %dma_start3A_71 = arith.constant 0 : i32
          %dma_start3A_72 = tpu.memref_slice %arg9[%add3A_65, %dma_start3A_71] : memref<4x128xi32, #tpu.memory_space<vmem>> -> memref<1x128xi32, #tpu.memory_space<vmem>>
          %dma_start3A_73 = tpu.memref_squeeze %dma_start3A_72 : memref<1x128xi32, #tpu.memory_space<vmem>> -> memref<128xi32, #tpu.memory_space<vmem>>
          %dma_start3A_74 = arith.constant 0 : i32
          %dma_start3A_75 = arith.constant 0 : i32
          %dma_start3A_76 = tpu.memref_slice %arg2[%dma_start3A_74, %dma_start3A_75] : memref<10000x128xf32, #tpu.memory_space<hbm>> -> memref<10000x128xf32, #tpu.memory_space<hbm>>
          tpu.enqueue_indirect_dma source(%dma_start3A_76 : memref<10000x128xf32, #tpu.memory_space<hbm>>) target(%dma_start3A_70 : memref<128x128xf32, #tpu.memory_space<vmem>>) offsets(%dma_start3A_73 : memref<128xi32, #tpu.memory_space<vmem>>) semaphore(%arg15 : memref<!tpu.dma_semaphore, #tpu.memory_space<semaphore_mem>>)
          %get3A = arith.index_cast %add3A_53 : i32 to index
          %get3A_77 = arith.constant 0 : index
          %get3A_78 = tpu.vector_load %arg10[%get3A, %get3A_77] {strides = array<i32>} : memref<4x128xi32, #tpu.memory_space<vmem>>, vector<16xi32>,
          tpu.vector_store_idx %arg12[%get3A_78], %broadcast_in_dim3A_1 {add = true} : memref<10240xf32, #tpu.memory_space<vmem>>[vector<16xi32>], vector<16xf32>,
          %get3A_79 = arith.index_cast %add3A_53 : i32 to index
          %get3A_80 = arith.constant 16 : index
          %get3A_81 = tpu.vector_load %arg10[%get3A_79, %get3A_80] {strides = array<i32>} : memref<4x128xi32, #tpu.memory_space<vmem>>, vector<16xi32>,
          tpu.vector_store_idx %arg12[%get3A_81], %broadcast_in_dim3A_1 {add = true} : memref<10240xf32, #tpu.memory_space<vmem>>[vector<16xi32>], vector<16xf32>,
          %get3A_82 = arith.index_cast %add3A_53 : i32 to index
          %get3A_83 = arith.constant 32 : index
          %get3A_84 = tpu.vector_load %arg10[%get3A_82, %get3A_83] {strides = array<i32>} : memref<4x128xi32, #tpu.memory_space<vmem>>, vector<16xi32>,
          tpu.vector_store_idx %arg12[%get3A_84], %broadcast_in_dim3A_1 {add = true} : memref<10240xf32, #tpu.memory_space<vmem>>[vector<16xi32>], vector<16xf32>,
          %get3A_85 = arith.index_cast %add3A_53 : i32 to index
          %get3A_86 = arith.constant 48 : index
          %get3A_87 = tpu.vector_load %arg10[%get3A_85, %get3A_86] {strides = array<i32>} : memref<4x128xi32, #tpu.memory_space<vmem>>, vector<16xi32>,
          tpu.vector_store_idx %arg12[%get3A_87], %broadcast_in_dim3A_1 {add = true} : memref<10240xf32, #tpu.memory_space<vmem>>[vector<16xi32>], vector<16xf32>,
          %get3A_88 = arith.index_cast %add3A_53 : i32 to index
          %get3A_89 = arith.constant 64 : index
          %get3A_90 = tpu.vector_load %arg10[%get3A_88, %get3A_89] {strides = array<i32>} : memref<4x128xi32, #tpu.memory_space<vmem>>, vector<16xi32>,
          tpu.vector_store_idx %arg12[%get3A_90], %broadcast_in_dim3A_1 {add = true} : memref<10240xf32, #tpu.memory_space<vmem>>[vector<16xi32>], vector<16xf32>,
          %get3A_91 = arith.index_cast %add3A_53 : i32 to index
          %get3A_92 = arith.constant 80 : index
          %get3A_93 = tpu.vector_load %arg10[%get3A_91, %get3A_92] {strides = array<i32>} : memref<4x128xi32, #tpu.memory_space<vmem>>, vector<16xi32>,
          tpu.vector_store_idx %arg12[%get3A_93], %broadcast_in_dim3A_1 {add = true} : memref<10240xf32, #tpu.memory_space<vmem>>[vector<16xi32>], vector<16xf32>,
          %get3A_94 = arith.index_cast %add3A_53 : i32 to index
          %get3A_95 = arith.constant 96 : index
          %get3A_96 = tpu.vector_load %arg10[%get3A_94, %get3A_95] {strides = array<i32>} : memref<4x128xi32, #tpu.memory_space<vmem>>, vector<16xi32>,
          tpu.vector_store_idx %arg12[%get3A_96], %broadcast_in_dim3A_1 {add = true} : memref<10240xf32, #tpu.memory_space<vmem>>[vector<16xi32>], vector<16xf32>,
          %get3A_97 = arith.index_cast %add3A_53 : i32 to index
          %get3A_98 = arith.constant 112 : index
          %get3A_99 = tpu.vector_load %arg10[%get3A_97, %get3A_98] {strides = array<i32>} : memref<4x128xi32, #tpu.memory_space<vmem>>, vector<16xi32>,
          tpu.vector_store_idx %arg12[%get3A_99], %broadcast_in_dim3A_1 {add = true} : memref<10240xf32, #tpu.memory_space<vmem>>[vector<16xi32>], vector<16xf32>,
          %dma_wait3A = arith.constant 0 : i32
          %dma_wait3A_100 = arith.constant 0 : i32
          %dma_wait3A_101 = arith.constant 0 : i32
          %dma_wait3A_102 = tpu.memref_slice %arg11[%dma_wait3A, %dma_wait3A_100, %dma_wait3A_101] : memref<2x128x128xf32, #tpu.memory_space<vmem>> -> memref<1x128x128xf32, #tpu.memory_space<vmem>>
          %dma_wait3A_103 = tpu.memref_squeeze %dma_wait3A_102 : memref<1x128x128xf32, #tpu.memory_space<vmem>> -> memref<128x128xf32, #tpu.memory_space<vmem>>
          %dma_wait3A_104 = arith.constant 0 : i32
          %dma_wait3A_105 = tpu.memref_slice %arg9[%add3A_53, %dma_wait3A_104] : memref<4x128xi32, #tpu.memory_space<vmem>> -> memref<1x128xi32, #tpu.memory_space<vmem>>
          %dma_wait3A_106 = tpu.memref_squeeze %dma_wait3A_105 : memref<1x128xi32, #tpu.memory_space<vmem>> -> memref<128xi32, #tpu.memory_space<vmem>>
          %dma_wait3A_107 = arith.constant 0 : i32
          %dma_wait3A_108 = arith.constant 0 : i32
          %dma_wait3A_109 = tpu.memref_slice %arg2[%dma_wait3A_107, %dma_wait3A_108] : memref<10000x128xf32, #tpu.memory_space<hbm>> -> memref<10000x128xf32, #tpu.memory_space<hbm>>
          tpu.wait_indirect_dma semaphore(%arg14 : memref<!tpu.dma_semaphore, #tpu.memory_space<semaphore_mem>>) src(%dma_wait3A_109 : memref<10000x128xf32, #tpu.memory_space<hbm>>) dst(%dma_wait3A_103 : memref<128x128xf32, #tpu.memory_space<vmem>>)
          %run_scoped3A = arith.constant 0 : i32
          "tpu.region"() ({
            %run_scoped3A_150 = tpu.sem_alloc : memref<!tpu.dma_semaphore, #tpu.memory_space<semaphore_mem>>
            %dma_start3A_151 = arith.constant 0 : i32
            %dma_start3A_152 = arith.constant 0 : i32
            %dma_start3A_153 = tpu.memref_slice %arg11[%run_scoped3A, %dma_start3A_151, %dma_start3A_152] : memref<2x128x128xf32, #tpu.memory_space<vmem>> -> memref<1x128x128xf32, #tpu.memory_space<vmem>>
            %dma_start3A_154 = tpu.memref_squeeze %dma_start3A_153 : memref<1x128x128xf32, #tpu.memory_space<vmem>> -> memref<128x128xf32, #tpu.memory_space<vmem>>
            %dma_start3A_155 = arith.constant 0 : i32
            %dma_start3A_156 = tpu.memref_slice %arg10[%add3A_53, %dma_start3A_155] : memref<4x128xi32, #tpu.memory_space<vmem>> -> memref<1x128xi32, #tpu.memory_space<vmem>>
            %dma_start3A_157 = tpu.memref_squeeze %dma_start3A_156 : memref<1x128xi32, #tpu.memory_space<vmem>> -> memref<128xi32, #tpu.memory_space<vmem>>
            %dma_start3A_158 = arith.constant 0 : i32
            %dma_start3A_159 = arith.constant 0 : i32
            %dma_start3A_160 = tpu.memref_slice %arg13[%dma_start3A_158, %dma_start3A_159] : memref<10240x128xf32, #tpu.memory_space<vmem_shared>> -> memref<10240x128xf32, #tpu.memory_space<vmem_shared>>
            tpu.enqueue_indirect_dma source(%dma_start3A_154 : memref<128x128xf32, #tpu.memory_space<vmem>>) target(%dma_start3A_160 : memref<10240x128xf32, #tpu.memory_space<vmem_shared>>) offsets(%dma_start3A_157 : memref<128xi32, #tpu.memory_space<vmem>>) semaphore(%run_scoped3A_150 : memref<!tpu.dma_semaphore, #tpu.memory_space<semaphore_mem>>) {add = true}
            %dma_wait3A_161 = arith.constant 0 : i32
            %dma_wait3A_162 = arith.constant 0 : i32
            %dma_wait3A_163 = tpu.memref_slice %arg11[%run_scoped3A, %dma_wait3A_161, %dma_wait3A_162] : memref<2x128x128xf32, #tpu.memory_space<vmem>> -> memref<1x128x128xf32, #tpu.memory_space<vmem>>
            %dma_wait3A_164 = tpu.memref_squeeze %dma_wait3A_163 : memref<1x128x128xf32, #tpu.memory_space<vmem>> -> memref<128x128xf32, #tpu.memory_space<vmem>>
            %dma_wait3A_165 = arith.constant 0 : i32
            %dma_wait3A_166 = tpu.memref_slice %arg10[%add3A_53, %dma_wait3A_165] : memref<4x128xi32, #tpu.memory_space<vmem>> -> memref<1x128xi32, #tpu.memory_space<vmem>>
            %dma_wait3A_167 = tpu.memref_squeeze %dma_wait3A_166 : memref<1x128xi32, #tpu.memory_space<vmem>> -> memref<128xi32, #tpu.memory_space<vmem>>
            %dma_wait3A_168 = arith.constant 0 : i32
            %dma_wait3A_169 = arith.constant 0 : i32
            %dma_wait3A_170 = tpu.memref_slice %arg13[%dma_wait3A_168, %dma_wait3A_169] : memref<10240x128xf32, #tpu.memory_space<vmem_shared>> -> memref<10240x128xf32, #tpu.memory_space<vmem_shared>>
            tpu.wait_indirect_dma semaphore(%run_scoped3A_150 : memref<!tpu.dma_semaphore, #tpu.memory_space<semaphore_mem>>) src(%dma_wait3A_164 : memref<128x128xf32, #tpu.memory_space<vmem>>) dst(%dma_wait3A_170 : memref<10240x128xf32, #tpu.memory_space<vmem_shared>>)
            tpu.yield
          }) : () -> ()
          %add3A_110 = arith.constant 1 : i32
          %add3A_111 = arith.addi %add3A_53, %add3A_110 : i32
          %get3A_112 = arith.index_cast %add3A_111 : i32 to index
          %get3A_113 = arith.constant 0 : index
          %get3A_114 = tpu.vector_load %arg10[%get3A_112, %get3A_113] {strides = array<i32>} : memref<4x128xi32, #tpu.memory_space<vmem>>, vector<16xi32>,
          tpu.vector_store_idx %arg12[%get3A_114], %broadcast_in_dim3A_1 {add = true} : memref<10240xf32, #tpu.memory_space<vmem>>[vector<16xi32>], vector<16xf32>,
          %get3A_115 = arith.index_cast %add3A_111 : i32 to index
          %get3A_116 = arith.constant 16 : index
          %get3A_117 = tpu.vector_load %arg10[%get3A_115, %get3A_116] {strides = array<i32>} : memref<4x128xi32, #tpu.memory_space<vmem>>, vector<16xi32>,
          tpu.vector_store_idx %arg12[%get3A_117], %broadcast_in_dim3A_1 {add = true} : memref<10240xf32, #tpu.memory_space<vmem>>[vector<16xi32>], vector<16xf32>,
          %get3A_118 = arith.index_cast %add3A_111 : i32 to index
          %get3A_119 = arith.constant 32 : index
          %get3A_120 = tpu.vector_load %arg10[%get3A_118, %get3A_119] {strides = array<i32>} : memref<4x128xi32, #tpu.memory_space<vmem>>, vector<16xi32>,
          tpu.vector_store_idx %arg12[%get3A_120], %broadcast_in_dim3A_1 {add = true} : memref<10240xf32, #tpu.memory_space<vmem>>[vector<16xi32>], vector<16xf32>,
          %get3A_121 = arith.index_cast %add3A_111 : i32 to index
          %get3A_122 = arith.constant 48 : index
          %get3A_123 = tpu.vector_load %arg10[%get3A_121, %get3A_122] {strides = array<i32>} : memref<4x128xi32, #tpu.memory_space<vmem>>, vector<16xi32>,
          tpu.vector_store_idx %arg12[%get3A_123], %broadcast_in_dim3A_1 {add = true} : memref<10240xf32, #tpu.memory_space<vmem>>[vector<16xi32>], vector<16xf32>,
          %get3A_124 = arith.index_cast %add3A_111 : i32 to index
          %get3A_125 = arith.constant 64 : index
          %get3A_126 = tpu.vector_load %arg10[%get3A_124, %get3A_125] {strides = array<i32>} : memref<4x128xi32, #tpu.memory_space<vmem>>, vector<16xi32>,
          tpu.vector_store_idx %arg12[%get3A_126], %broadcast_in_dim3A_1 {add = true} : memref<10240xf32, #tpu.memory_space<vmem>>[vector<16xi32>], vector<16xf32>,
          %get3A_127 = arith.index_cast %add3A_111 : i32 to index
          %get3A_128 = arith.constant 80 : index
          %get3A_129 = tpu.vector_load %arg10[%get3A_127, %get3A_128] {strides = array<i32>} : memref<4x128xi32, #tpu.memory_space<vmem>>, vector<16xi32>,
          tpu.vector_store_idx %arg12[%get3A_129], %broadcast_in_dim3A_1 {add = true} : memref<10240xf32, #tpu.memory_space<vmem>>[vector<16xi32>], vector<16xf32>,
          %get3A_130 = arith.index_cast %add3A_111 : i32 to index
          %get3A_131 = arith.constant 96 : index
          %get3A_132 = tpu.vector_load %arg10[%get3A_130, %get3A_131] {strides = array<i32>} : memref<4x128xi32, #tpu.memory_space<vmem>>, vector<16xi32>,
          tpu.vector_store_idx %arg12[%get3A_132], %broadcast_in_dim3A_1 {add = true} : memref<10240xf32, #tpu.memory_space<vmem>>[vector<16xi32>], vector<16xf32>,
          %get3A_133 = arith.index_cast %add3A_111 : i32 to index
          %get3A_134 = arith.constant 112 : index
          %get3A_135 = tpu.vector_load %arg10[%get3A_133, %get3A_134] {strides = array<i32>} : memref<4x128xi32, #tpu.memory_space<vmem>>, vector<16xi32>,
          tpu.vector_store_idx %arg12[%get3A_135], %broadcast_in_dim3A_1 {add = true} : memref<10240xf32, #tpu.memory_space<vmem>>[vector<16xi32>], vector<16xf32>,
          %dma_wait3A_136 = arith.constant 1 : i32
          %dma_wait3A_137 = arith.constant 0 : i32
          %dma_wait3A_138 = arith.constant 0 : i32
          %dma_wait3A_139 = tpu.memref_slice %arg11[%dma_wait3A_136, %dma_wait3A_137, %dma_wait3A_138] : memref<2x128x128xf32, #tpu.memory_space<vmem>> -> memref<1x128x128xf32, #tpu.memory_space<vmem>>
          %dma_wait3A_140 = tpu.memref_squeeze %dma_wait3A_139 : memref<1x128x128xf32, #tpu.memory_space<vmem>> -> memref<128x128xf32, #tpu.memory_space<vmem>>
          %dma_wait3A_141 = arith.constant 0 : i32
          %dma_wait3A_142 = tpu.memref_slice %arg9[%add3A_65, %dma_wait3A_141] : memref<4x128xi32, #tpu.memory_space<vmem>> -> memref<1x128xi32, #tpu.memory_space<vmem>>
          %dma_wait3A_143 = tpu.memref_squeeze %dma_wait3A_142 : memref<1x128xi32, #tpu.memory_space<vmem>> -> memref<128xi32, #tpu.memory_space<vmem>>
          %dma_wait3A_144 = arith.constant 0 : i32
          %dma_wait3A_145 = arith.constant 0 : i32
          %dma_wait3A_146 = tpu.memref_slice %arg2[%dma_wait3A_144, %dma_wait3A_145] : memref<10000x128xf32, #tpu.memory_space<hbm>> -> memref<10000x128xf32, #tpu.memory_space<hbm>>
          tpu.wait_indirect_dma semaphore(%arg15 : memref<!tpu.dma_semaphore, #tpu.memory_space<semaphore_mem>>) src(%dma_wait3A_146 : memref<10000x128xf32, #tpu.memory_space<hbm>>) dst(%dma_wait3A_140 : memref<128x128xf32, #tpu.memory_space<vmem>>)
          %add3A_147 = arith.constant 1 : i32
          %add3A_148 = arith.addi %add3A_53, %add3A_147 : i32
          %run_scoped3A_149 = arith.constant 1 : i32
          "tpu.region"() ({
            %run_scoped3A_150 = tpu.sem_alloc : memref<!tpu.dma_semaphore, #tpu.memory_space<semaphore_mem>>
            %dma_start3A_151 = arith.constant 0 : i32
            %dma_start3A_152 = arith.constant 0 : i32
            %dma_start3A_153 = tpu.memref_slice %arg11[%run_scoped3A_149, %dma_start3A_151, %dma_start3A_152] : memref<2x128x128xf32, #tpu.memory_space<vmem>> -> memref<1x128x128xf32, #tpu.memory_space<vmem>>
            %dma_start3A_154 = tpu.memref_squeeze %dma_start3A_153 : memref<1x128x128xf32, #tpu.memory_space<vmem>> -> memref<128x128xf32, #tpu.memory_space<vmem>>
            %dma_start3A_155 = arith.constant 0 : i32
            %dma_start3A_156 = tpu.memref_slice %arg10[%add3A_148, %dma_start3A_155] : memref<4x128xi32, #tpu.memory_space<vmem>> -> memref<1x128xi32, #tpu.memory_space<vmem>>
            %dma_start3A_157 = tpu.memref_squeeze %dma_start3A_156 : memref<1x128xi32, #tpu.memory_space<vmem>> -> memref<128xi32, #tpu.memory_space<vmem>>
            %dma_start3A_158 = arith.constant 0 : i32
            %dma_start3A_159 = arith.constant 0 : i32
            %dma_start3A_160 = tpu.memref_slice %arg13[%dma_start3A_158, %dma_start3A_159] : memref<10240x128xf32, #tpu.memory_space<vmem_shared>> -> memref<10240x128xf32, #tpu.memory_space<vmem_shared>>
            tpu.enqueue_indirect_dma source(%dma_start3A_154 : memref<128x128xf32, #tpu.memory_space<vmem>>) target(%dma_start3A_160 : memref<10240x128xf32, #tpu.memory_space<vmem_shared>>) offsets(%dma_start3A_157 : memref<128xi32, #tpu.memory_space<vmem>>) semaphore(%run_scoped3A_150 : memref<!tpu.dma_semaphore, #tpu.memory_space<semaphore_mem>>) {add = true}
            %dma_wait3A_161 = arith.constant 0 : i32
            %dma_wait3A_162 = arith.constant 0 : i32
            %dma_wait3A_163 = tpu.memref_slice %arg11[%run_scoped3A_149, %dma_wait3A_161, %dma_wait3A_162] : memref<2x128x128xf32, #tpu.memory_space<vmem>> -> memref<1x128x128xf32, #tpu.memory_space<vmem>>
            %dma_wait3A_164 = tpu.memref_squeeze %dma_wait3A_163 : memref<1x128x128xf32, #tpu.memory_space<vmem>> -> memref<128x128xf32, #tpu.memory_space<vmem>>
            %dma_wait3A_165 = arith.constant 0 : i32
            %dma_wait3A_166 = tpu.memref_slice %arg10[%add3A_148, %dma_wait3A_165] : memref<4x128xi32, #tpu.memory_space<vmem>> -> memref<1x128xi32, #tpu.memory_space<vmem>>
            %dma_wait3A_167 = tpu.memref_squeeze %dma_wait3A_166 : memref<1x128xi32, #tpu.memory_space<vmem>> -> memref<128xi32, #tpu.memory_space<vmem>>
            %dma_wait3A_168 = arith.constant 0 : i32
            %dma_wait3A_169 = arith.constant 0 : i32
            %dma_wait3A_170 = tpu.memref_slice %arg13[%dma_wait3A_168, %dma_wait3A_169] : memref<10240x128xf32, #tpu.memory_space<vmem_shared>> -> memref<10240x128xf32, #tpu.memory_space<vmem_shared>>
            tpu.wait_indirect_dma semaphore(%run_scoped3A_150 : memref<!tpu.dma_semaphore, #tpu.memory_space<semaphore_mem>>) src(%dma_wait3A_164 : memref<128x128xf32, #tpu.memory_space<vmem>>) dst(%dma_wait3A_170 : memref<10240x128xf32, #tpu.memory_space<vmem_shared>>)
            tpu.yield
          }) : () -> ()
        }
        %scan3A_48 = arith.constant 2 : i32
      } else {
      }
    }
    %scan3A_31 = arith.constant 27 : i32
    %barrier3A_32 = arith.constant 0 : index
    tpu.barrier barrier_id(%barrier3A_32)
    %mul3A_33 = arith.constant 640 : i32
    %mul3A_34 = arith.muli %arg1, %mul3A_33 : i32
    "tpu.region"() ({
      %run_scoped3A = tpu.sem_alloc : memref<!tpu.dma_semaphore, #tpu.memory_space<semaphore_mem>>
      %dma_start3A = arith.constant 0 : i32
      %dma_start3A_35 = arith.constant 0 : i32
      %dma_start3A_36 = tpu.memref_slice %arg7[%arg0, %dma_start3A, %dma_start3A_35] : memref<2x10240x128xf32, #tpu.memory_space<hbm>> -> memref<1x10240x128xf32, #tpu.memory_space<hbm>>
      %dma_start3A_37 = tpu.memref_squeeze %dma_start3A_36 : memref<1x10240x128xf32, #tpu.memory_space<hbm>> -> memref<10240x128xf32, #tpu.memory_space<hbm>>
      %dma_start3A_38 = arith.constant 0 : i32
      %dma_start3A_39 = tpu.memref_slice %dma_start3A_37[%mul3A_34, %dma_start3A_38] : memref<10240x128xf32, #tpu.memory_space<hbm>> -> memref<640x128xf32, #tpu.memory_space<hbm>>
      %dma_start3A_40 = arith.constant 0 : i32
      %dma_start3A_41 = tpu.memref_slice %arg13[%mul3A_34, %dma_start3A_40] : memref<10240x128xf32, #tpu.memory_space<vmem_shared>> -> memref<640x128xf32, #tpu.memory_space<vmem_shared>>
      tpu.enqueue_dma source(%dma_start3A_41 : memref<640x128xf32, #tpu.memory_space<vmem_shared>>) target(%dma_start3A_39 : memref<640x128xf32, #tpu.memory_space<hbm>>) target_semaphore(%run_scoped3A : memref<!tpu.dma_semaphore, #tpu.memory_space<semaphore_mem>>)
      %dma_wait3A = arith.constant 0 : i32
      %dma_wait3A_42 = arith.constant 0 : i32
      %dma_wait3A_43 = tpu.memref_slice %arg7[%arg0, %dma_wait3A, %dma_wait3A_42] : memref<2x10240x128xf32, #tpu.memory_space<hbm>> -> memref<1x10240x128xf32, #tpu.memory_space<hbm>>
      %dma_wait3A_44 = tpu.memref_squeeze %dma_wait3A_43 : memref<1x10240x128xf32, #tpu.memory_space<hbm>> -> memref<10240x128xf32, #tpu.memory_space<hbm>>
      %dma_wait3A_45 = arith.constant 0 : i32
      %dma_wait3A_46 = tpu.memref_slice %dma_wait3A_44[%mul3A_34, %dma_wait3A_45] : memref<10240x128xf32, #tpu.memory_space<hbm>> -> memref<640x128xf32, #tpu.memory_space<hbm>>
      %dma_wait3A_47 = arith.constant 0 : i32
      %dma_wait3A_48 = tpu.memref_slice %arg13[%mul3A_34, %dma_wait3A_47] : memref<10240x128xf32, #tpu.memory_space<vmem_shared>> -> memref<640x128xf32, #tpu.memory_space<vmem_shared>>
      tpu.wait_dma2 semaphore(%run_scoped3A : memref<!tpu.dma_semaphore, #tpu.memory_space<semaphore_mem>>) src(%dma_wait3A_48 : memref<640x128xf32, #tpu.memory_space<vmem_shared>>) dst(%dma_wait3A_46 : memref<640x128xf32, #tpu.memory_space<hbm>>)
      tpu.yield
    }) : () -> ()
    "tpu.region"() ({
      %run_scoped3A = tpu.sem_alloc : memref<!tpu.dma_semaphore, #tpu.memory_space<semaphore_mem>>
      %dma_start3A = arith.constant 0 : i32
      %dma_start3A_35 = tpu.memref_slice %arg8[%add3A, %dma_start3A] : memref<32x10240xf32, #tpu.memory_space<hbm>> -> memref<1x10240xf32, #tpu.memory_space<hbm>>
      %dma_start3A_36 = tpu.memref_squeeze %dma_start3A_35 : memref<1x10240xf32, #tpu.memory_space<hbm>> -> memref<10240xf32, #tpu.memory_space<hbm>>
      %dma_start3A_37 = arith.constant 0 : i32
      %dma_start3A_38 = tpu.memref_slice %arg8[%add3A, %dma_start3A_37] : memref<32x10240xf32, #tpu.memory_space<hbm>> -> memref<1x10240xf32, #tpu.memory_space<hbm>>
      %dma_start3A_39 = tpu.memref_squeeze %dma_start3A_38 : memref<1x10240xf32, #tpu.memory_space<hbm>> -> memref<10240xf32, #tpu.memory_space<hbm>>
      tpu.enqueue_dma source(%arg12 : memref<10240xf32, #tpu.memory_space<vmem>>) target(%dma_start3A_39 : memref<10240xf32, #tpu.memory_space<hbm>>) target_semaphore(%run_scoped3A : memref<!tpu.dma_semaphore, #tpu.memory_space<semaphore_mem>>)
      %dma_wait3A = arith.constant 0 : i32
      %dma_wait3A_40 = tpu.memref_slice %arg8[%add3A, %dma_wait3A] : memref<32x10240xf32, #tpu.memory_space<hbm>> -> memref<1x10240xf32, #tpu.memory_space<hbm>>
      %dma_wait3A_41 = tpu.memref_squeeze %dma_wait3A_40 : memref<1x10240xf32, #tpu.memory_space<hbm>> -> memref<10240xf32, #tpu.memory_space<hbm>>
      %dma_wait3A_42 = arith.constant 0 : i32
      %dma_wait3A_43 = tpu.memref_slice %arg8[%add3A, %dma_wait3A_42] : memref<32x10240xf32, #tpu.memory_space<hbm>> -> memref<1x10240xf32, #tpu.memory_space<hbm>>
      %dma_wait3A_44 = tpu.memref_squeeze %dma_wait3A_43 : memref<1x10240xf32, #tpu.memory_space<hbm>> -> memref<10240xf32, #tpu.memory_space<hbm>>
      tpu.wait_dma2 semaphore(%run_scoped3A : memref<!tpu.dma_semaphore, #tpu.memory_space<semaphore_mem>>) src(%arg12 : memref<10240xf32, #tpu.memory_space<vmem>>) dst(%dma_wait3A_44 : memref<10240xf32, #tpu.memory_space<hbm>>)
      tpu.yield
    }) : () -> ()
    return
  }
}

#map = affine_map<(d0, d1) -> (0, 0)>
module attributes {stable_mosaic.version = 14 : i64} {
  func.func @gather_kernel(%arg0: i32, %arg1: i32, %arg2: memref<10240x128xf32, #tpu.memory_space<hbm>>, %arg3: memref<1x122880xi32, #tpu.memory_space<hbm>>, %arg4: memref<122880x128xf32, #tpu.memory_space<hbm>>) attributes {dimension_semantics = [#tpu.dimension_semantics<core_parallel>, #tpu.dimension_semantics<subcore_parallel>], iteration_bounds = array<i64: 2, 16>, scalar_prefetch = 0 : i64, scratch_operands = 0 : i64, tpu.core_type = #tpu.core_type<sc_vector_subcore>, window_params = [{transform_indices = #map}, {transform_indices = #map}, {transform_indices = #map}]} {
    %mul3A = arith.constant 1 : i32
    %mul3A_0 = arith.muli %arg1, %mul3A : i32
    %add3A = arith.constant 0 : i32
    %add3A_1 = arith.addi %add3A, %mul3A_0 : i32
    %mul3A_2 = arith.constant 16 : i32
    %mul3A_3 = arith.muli %arg0, %mul3A_2 : i32
    %add3A_4 = arith.addi %add3A_1, %mul3A_3 : i32
    %mul3A_5 = arith.constant 30 : i32
    %mul3A_6 = arith.muli %add3A_4, %mul3A_5 : i32
    "tpu.region"() ({
      %run_scoped3A = memref.alloca() : memref<2x1x128xi32, #tpu.memory_space<vmem>>
      %run_scoped3A_7 = tpu.sem_alloc : memref<2x!tpu.dma_semaphore, #tpu.memory_space<semaphore_mem>>
      %run_scoped3A_8 = memref.alloca() : memref<2x128x128xf32, #tpu.memory_space<vmem>>
      %run_scoped3A_9 = tpu.sem_alloc : memref<2x!tpu.dma_semaphore, #tpu.memory_space<semaphore_mem>>
      %add3A_10 = arith.constant 0 : i32
      %add3A_11 = arith.addi %add3A_10, %mul3A_6 : i32
      %select_n3A = arith.constant true
      %select_n3A_12 = arith.constant 0 : i32
      %select_n3A_13 = arith.constant -1 : i32
      %select_n3A_14 = arith.select %select_n3A, %select_n3A_13, %select_n3A_12 : i32
      %eq3A = arith.constant -1 : i32
      %eq3A_15 = arith.cmpi eq, %select_n3A_14, %eq3A : i32
      %select_n3A_16 = arith.constant 29 : i32
      %select_n3A_17 = arith.select %eq3A_15, %select_n3A_16, %select_n3A_14 : i32
      %add3A_18 = arith.addi %select_n3A_17, %mul3A_6 : i32
      %select_n3A_19 = arith.constant true
      %select_n3A_20 = arith.constant 0 : i32
      %select_n3A_21 = arith.constant 1 : i32
      %select_n3A_22 = arith.select %select_n3A_19, %select_n3A_21, %select_n3A_20 : i32
      %eq3A_23 = arith.constant 30 : i32
      %eq3A_24 = arith.cmpi eq, %select_n3A_22, %eq3A_23 : i32
      %select_n3A_25 = arith.constant 0 : i32
      %select_n3A_26 = arith.select %eq3A_24, %select_n3A_25, %select_n3A_22 : i32
      %add3A_27 = arith.addi %select_n3A_26, %mul3A_6 : i32
      %add3A_28 = arith.constant 1 : i32
      %add3A_29 = arith.addi %select_n3A_26, %add3A_28 : i32
      %select_n3A_30 = arith.constant true
      %select_n3A_31 = arith.select %select_n3A_30, %add3A_29, %select_n3A_26 : i32
      %eq3A_32 = arith.constant 30 : i32
      %eq3A_33 = arith.cmpi eq, %select_n3A_31, %eq3A_32 : i32
      %select_n3A_34 = arith.constant 0 : i32
      %select_n3A_35 = arith.select %eq3A_33, %select_n3A_34, %select_n3A_31 : i32
      %add3A_36 = arith.addi %select_n3A_35, %mul3A_6 : i32
      "tpu.trace_start"() <{level = 10 : i32, message = "ep_initialize_0"}> : () -> ()
      %rem3A = arith.constant 0 : i32
      %rem3A_37 = arith.constant 2 : i32
      %rem3A_38 = arith.remui %rem3A, %rem3A_37 : i32
      %mul3A_39 = arith.constant 128 : i32
      %mul3A_40 = arith.muli %mul3A_39, %add3A_11 : i32
      %dma_start3A = arith.constant 0 : i32
      %dma_start3A_41 = arith.constant 0 : i32
      %dma_start3A_42 = tpu.memref_slice %run_scoped3A[%rem3A_38, %dma_start3A, %dma_start3A_41] : memref<2x1x128xi32, #tpu.memory_space<vmem>> -> memref<1x1x128xi32, #tpu.memory_space<vmem>>
      %dma_start3A_43 = tpu.memref_squeeze %dma_start3A_42 : memref<1x1x128xi32, #tpu.memory_space<vmem>> -> memref<1x128xi32, #tpu.memory_space<vmem>>
      %dma_start3A_44 = arith.constant 0 : i32
      %dma_start3A_45 = tpu.memref_slice %arg3[%dma_start3A_44, %mul3A_40] : memref<1x122880xi32, #tpu.memory_space<hbm>> -> memref<1x128xi32, #tpu.memory_space<hbm>>
      %dma_start3A_46 = tpu.memref_slice %run_scoped3A_7[%rem3A_38] : memref<2x!tpu.dma_semaphore, #tpu.memory_space<semaphore_mem>> -> memref<1x!tpu.dma_semaphore, #tpu.memory_space<semaphore_mem>>
      %dma_start3A_47 = tpu.memref_squeeze %dma_start3A_46 : memref<1x!tpu.dma_semaphore, #tpu.memory_space<semaphore_mem>> -> memref<!tpu.dma_semaphore, #tpu.memory_space<semaphore_mem>>
      %dma_start3A_48 = arith.constant 0 : i32
      %dma_start3A_49 = arith.constant 0 : i32
      %dma_start3A_50 = tpu.memref_slice %run_scoped3A[%rem3A_38, %dma_start3A_48, %dma_start3A_49] : memref<2x1x128xi32, #tpu.memory_space<vmem>> -> memref<1x1x128xi32, #tpu.memory_space<vmem>>
      %dma_start3A_51 = tpu.memref_squeeze %dma_start3A_50 : memref<1x1x128xi32, #tpu.memory_space<vmem>> -> memref<1x128xi32, #tpu.memory_space<vmem>>
      %dma_start3A_52 = arith.constant 0 : i32
      %dma_start3A_53 = tpu.memref_slice %arg3[%dma_start3A_52, %mul3A_40] : memref<1x122880xi32, #tpu.memory_space<hbm>> -> memref<1x128xi32, #tpu.memory_space<hbm>>
      tpu.enqueue_dma source(%dma_start3A_53 : memref<1x128xi32, #tpu.memory_space<hbm>>) target(%dma_start3A_51 : memref<1x128xi32, #tpu.memory_space<vmem>>) target_semaphore(%dma_start3A_47 : memref<!tpu.dma_semaphore, #tpu.memory_space<semaphore_mem>>)
      %add3A_54 = arith.constant 0 : i32
      %add3A_55 = arith.constant 1 : i32
      %add3A_56 = arith.addi %add3A_54, %add3A_55 : i32
      %select_n3A_57 = arith.constant true
      %select_n3A_58 = arith.constant 0 : i32
      %select_n3A_59 = arith.select %select_n3A_57, %add3A_56, %select_n3A_58 : i32
      "tpu.trace_stop"() : () -> ()
      %scan3A = arith.constant 0 : i32
      %scan3A_60 = arith.constant 0 : i32
      %scan3A_61 = arith.constant 0 : i32
      %scan3A_62 = arith.constant 0 : i32
      %scan3A_63 = arith.constant 0 : i32
      %scan3A_64 = arith.constant 30 : i32
      %scan3A_65 = arith.addi %scan3A_63, %scan3A_64 : i32
      %scan3A_66 = arith.constant 1 : i32
      %scan3A_67:5 = scf.for %scan3A_121 = %scan3A_63 to %scan3A_65 step %scan3A_66 iter_args(%scan3A_122 = %select_n3A_59, %scan3A_123 = %scan3A, %scan3A_124 = %scan3A_60, %scan3A_125 = %scan3A_61, %scan3A_126 = %scan3A_62) -> (i32, i32, i32, i32, i32)  : i32 {
        %eq3A_127 = arith.constant 0 : i32
        %eq3A_128 = arith.cmpi eq, %scan3A_121, %eq3A_127 : i32
        %eq3A_129 = arith.constant 29 : i32
        %eq3A_130 = arith.cmpi eq, %scan3A_121, %eq3A_129 : i32
        %add3A_131 = arith.addi %scan3A_126, %mul3A_6 : i32
        %sub3A_132 = arith.constant 1 : i32
        %sub3A_133 = arith.subi %scan3A_126, %sub3A_132 : i32
        %select_n3A_134 = arith.constant true
        %select_n3A_135 = arith.select %select_n3A_134, %sub3A_133, %scan3A_126 : i32
        %eq3A_136 = arith.constant -1 : i32
        %eq3A_137 = arith.cmpi eq, %select_n3A_135, %eq3A_136 : i32
        %select_n3A_138 = arith.constant 29 : i32
        %select_n3A_139 = arith.select %eq3A_137, %select_n3A_138, %select_n3A_135 : i32
        %add3A_140 = arith.addi %select_n3A_139, %mul3A_6 : i32
        %add3A_141 = arith.constant 1 : i32
        %add3A_142 = arith.addi %scan3A_126, %add3A_141 : i32
        %select_n3A_143 = arith.constant true
        %select_n3A_144 = arith.select %select_n3A_143, %add3A_142, %scan3A_126 : i32
        %eq3A_145 = arith.constant 30 : i32
        %eq3A_146 = arith.cmpi eq, %select_n3A_144, %eq3A_145 : i32
        %select_n3A_147 = arith.constant 0 : i32
        %select_n3A_148 = arith.select %eq3A_146, %select_n3A_147, %select_n3A_144 : i32
        %add3A_149 = arith.addi %select_n3A_148, %mul3A_6 : i32
        %add3A_150 = arith.constant 1 : i32
        %add3A_151 = arith.addi %select_n3A_148, %add3A_150 : i32
        %select_n3A_152 = arith.constant true
        %select_n3A_153 = arith.select %select_n3A_152, %add3A_151, %select_n3A_148 : i32
        %eq3A_154 = arith.constant 30 : i32
        %eq3A_155 = arith.cmpi eq, %select_n3A_153, %eq3A_154 : i32
        %select_n3A_156 = arith.constant 0 : i32
        %select_n3A_157 = arith.select %eq3A_155, %select_n3A_156, %select_n3A_153 : i32
        %add3A_158 = arith.addi %select_n3A_157, %mul3A_6 : i32
        %ne3A = arith.cmpi ne, %add3A_131, %add3A_149 : i32
        %or3A = arith.constant false
        %or3A_159 = arith.ori %or3A, %ne3A : i1
        %ge3A = arith.constant 29 : i32
        %ge3A_160 = arith.cmpi sge, %scan3A_121, %ge3A : i32
        %not3A = arith.constant true
        %not3A_161 = arith.xori %ge3A_160, %not3A : i1
        %and3A = arith.andi %or3A_159, %not3A_161 : i1
        %convert_element_type3A = arith.extui %and3A : i1 to i32
        %cond3A = arith.constant 0 : i32
        %cond3A_162 = arith.cmpi ne, %convert_element_type3A, %cond3A : i32
        scf.if %cond3A_162 {
          "tpu.trace_start"() <{level = 10 : i32, message = "ep_copy_in"}> : () -> ()
          %rem3A_264 = arith.constant 2 : i32
          %rem3A_265 = arith.remui %scan3A_122, %rem3A_264 : i32
          %mul3A_266 = arith.constant 128 : i32
          %mul3A_267 = arith.muli %mul3A_266, %add3A_149 : i32
          %dma_start3A_268 = arith.constant 0 : i32
          %dma_start3A_269 = arith.constant 0 : i32
          %dma_start3A_270 = tpu.memref_slice %run_scoped3A[%rem3A_265, %dma_start3A_268, %dma_start3A_269] : memref<2x1x128xi32, #tpu.memory_space<vmem>> -> memref<1x1x128xi32, #tpu.memory_space<vmem>>
          %dma_start3A_271 = tpu.memref_squeeze %dma_start3A_270 : memref<1x1x128xi32, #tpu.memory_space<vmem>> -> memref<1x128xi32, #tpu.memory_space<vmem>>
          %dma_start3A_272 = arith.constant 0 : i32
          %dma_start3A_273 = tpu.memref_slice %arg3[%dma_start3A_272, %mul3A_267] : memref<1x122880xi32, #tpu.memory_space<hbm>> -> memref<1x128xi32, #tpu.memory_space<hbm>>
          %dma_start3A_274 = tpu.memref_slice %run_scoped3A_7[%rem3A_265] : memref<2x!tpu.dma_semaphore, #tpu.memory_space<semaphore_mem>> -> memref<1x!tpu.dma_semaphore, #tpu.memory_space<semaphore_mem>>
          %dma_start3A_275 = tpu.memref_squeeze %dma_start3A_274 : memref<1x!tpu.dma_semaphore, #tpu.memory_space<semaphore_mem>> -> memref<!tpu.dma_semaphore, #tpu.memory_space<semaphore_mem>>
          %dma_start3A_276 = arith.constant 0 : i32
          %dma_start3A_277 = arith.constant 0 : i32
          %dma_start3A_278 = tpu.memref_slice %run_scoped3A[%rem3A_265, %dma_start3A_276, %dma_start3A_277] : memref<2x1x128xi32, #tpu.memory_space<vmem>> -> memref<1x1x128xi32, #tpu.memory_space<vmem>>
          %dma_start3A_279 = tpu.memref_squeeze %dma_start3A_278 : memref<1x1x128xi32, #tpu.memory_space<vmem>> -> memref<1x128xi32, #tpu.memory_space<vmem>>
          %dma_start3A_280 = arith.constant 0 : i32
          %dma_start3A_281 = tpu.memref_slice %arg3[%dma_start3A_280, %mul3A_267] : memref<1x122880xi32, #tpu.memory_space<hbm>> -> memref<1x128xi32, #tpu.memory_space<hbm>>
          tpu.enqueue_dma source(%dma_start3A_281 : memref<1x128xi32, #tpu.memory_space<hbm>>) target(%dma_start3A_279 : memref<1x128xi32, #tpu.memory_space<vmem>>) target_semaphore(%dma_start3A_275 : memref<!tpu.dma_semaphore, #tpu.memory_space<semaphore_mem>>)
          "tpu.trace_stop"() : () -> ()
        } else {
        }
        %and3A_163 = arith.constant true
        %and3A_164 = arith.andi %and3A, %and3A_163 : i1
        %add3A_165 = arith.constant 1 : i32
        %add3A_166 = arith.addi %scan3A_122, %add3A_165 : i32
        %select_n3A_167 = arith.select %and3A_164, %add3A_166, %scan3A_122 : i32
        %ne3A_168 = arith.cmpi ne, %add3A_131, %add3A_149 : i32
        %or3A_169 = arith.constant false
        %or3A_170 = arith.ori %or3A_169, %ne3A_168 : i1
        %or3A_171 = arith.constant false
        %or3A_172 = arith.ori %or3A_170, %or3A_171 : i1
        %ge3A_173 = arith.constant 29 : i32
        %ge3A_174 = arith.cmpi sge, %scan3A_121, %ge3A_173 : i32
        %not3A_175 = arith.constant true
        %not3A_176 = arith.xori %ge3A_174, %not3A_175 : i1
        %and3A_177 = arith.andi %or3A_172, %not3A_176 : i1
        %ne3A_178 = arith.cmpi ne, %add3A_131, %add3A_140 : i32
        %or3A_179 = arith.constant false
        %or3A_180 = arith.ori %or3A_179, %ne3A_178 : i1
        %or3A_181 = arith.ori %or3A_180, %eq3A_128 : i1
        %convert_element_type3A_182 = arith.extui %or3A_181 : i1 to i32
        %cond3A_183 = arith.constant 0 : i32
        %cond3A_184 = arith.cmpi ne, %convert_element_type3A_182, %cond3A_183 : i32
        scf.if %cond3A_184 {
          "tpu.trace_start"() <{level = 10 : i32, message = "ep_wait_in"}> : () -> ()
          %mul3A_264 = arith.constant 128 : i32
          %mul3A_265 = arith.muli %mul3A_264, %add3A_131 : i32
          %rem3A_266 = arith.constant 2 : i32
          %rem3A_267 = arith.remui %scan3A_123, %rem3A_266 : i32
          %dma_wait3A_268 = arith.constant 0 : i32
          %dma_wait3A_269 = arith.constant 0 : i32
          %dma_wait3A_270 = tpu.memref_slice %run_scoped3A[%rem3A_267, %dma_wait3A_268, %dma_wait3A_269] : memref<2x1x128xi32, #tpu.memory_space<vmem>> -> memref<1x1x128xi32, #tpu.memory_space<vmem>>
          %dma_wait3A_271 = tpu.memref_squeeze %dma_wait3A_270 : memref<1x1x128xi32, #tpu.memory_space<vmem>> -> memref<1x128xi32, #tpu.memory_space<vmem>>
          %dma_wait3A_272 = arith.constant 0 : i32
          %dma_wait3A_273 = tpu.memref_slice %arg3[%dma_wait3A_272, %mul3A_265] : memref<1x122880xi32, #tpu.memory_space<hbm>> -> memref<1x128xi32, #tpu.memory_space<hbm>>
          %dma_wait3A_274 = tpu.memref_slice %run_scoped3A_7[%rem3A_267] : memref<2x!tpu.dma_semaphore, #tpu.memory_space<semaphore_mem>> -> memref<1x!tpu.dma_semaphore, #tpu.memory_space<semaphore_mem>>
          %dma_wait3A_275 = tpu.memref_squeeze %dma_wait3A_274 : memref<1x!tpu.dma_semaphore, #tpu.memory_space<semaphore_mem>> -> memref<!tpu.dma_semaphore, #tpu.memory_space<semaphore_mem>>
          %dma_wait3A_276 = arith.constant 0 : i32
          %dma_wait3A_277 = arith.constant 0 : i32
          %dma_wait3A_278 = tpu.memref_slice %run_scoped3A[%rem3A_267, %dma_wait3A_276, %dma_wait3A_277] : memref<2x1x128xi32, #tpu.memory_space<vmem>> -> memref<1x1x128xi32, #tpu.memory_space<vmem>>
          %dma_wait3A_279 = tpu.memref_squeeze %dma_wait3A_278 : memref<1x1x128xi32, #tpu.memory_space<vmem>> -> memref<1x128xi32, #tpu.memory_space<vmem>>
          %dma_wait3A_280 = arith.constant 0 : i32
          %dma_wait3A_281 = tpu.memref_slice %arg3[%dma_wait3A_280, %mul3A_265] : memref<1x122880xi32, #tpu.memory_space<hbm>> -> memref<1x128xi32, #tpu.memory_space<hbm>>
          tpu.wait_dma2 semaphore(%dma_wait3A_275 : memref<!tpu.dma_semaphore, #tpu.memory_space<semaphore_mem>>) src(%dma_wait3A_281 : memref<1x128xi32, #tpu.memory_space<hbm>>) dst(%dma_wait3A_279 : memref<1x128xi32, #tpu.memory_space<vmem>>)
          "tpu.trace_stop"() : () -> ()
        } else {
        }
        %ne3A_185 = arith.cmpi ne, %add3A_131, %add3A_140 : i32
        %or3A_186 = arith.constant false
        %or3A_187 = arith.ori %or3A_186, %ne3A_185 : i1
        %or3A_188 = arith.constant false
        %or3A_189 = arith.ori %or3A_187, %or3A_188 : i1
        %or3A_190 = arith.ori %or3A_189, %eq3A_128 : i1
        %convert_element_type3A_191 = arith.extui %or3A_190 : i1 to i32
        %cond3A_192 = arith.constant 0 : i32
        %cond3A_193 = arith.cmpi ne, %convert_element_type3A_191, %cond3A_192 : i32
        scf.if %cond3A_193 {
        } else {
        }
        %rem3A_194 = arith.constant 2 : i32
        %rem3A_195 = arith.remui %scan3A_123, %rem3A_194 : i32
        %rem3A_196 = arith.constant 2 : i32
        %rem3A_197 = arith.remui %scan3A_124, %rem3A_196 : i32
        %run_scoped3A_198 = arith.constant 0 : i32
        "tpu.trace_start"() <{level = 10 : i32, message = "ep_run_kernel"}> : () -> ()
        "tpu.region"() ({
          %run_scoped3A_264 = tpu.sem_alloc : memref<!tpu.dma_semaphore, #tpu.memory_space<semaphore_mem>>
          %dma_start3A_265 = arith.constant 0 : i32
          %dma_start3A_266 = arith.constant 0 : i32
          %dma_start3A_267 = tpu.memref_slice %run_scoped3A_8[%rem3A_197, %dma_start3A_265, %dma_start3A_266] : memref<2x128x128xf32, #tpu.memory_space<vmem>> -> memref<1x128x128xf32, #tpu.memory_space<vmem>>
          %dma_start3A_268 = tpu.memref_squeeze %dma_start3A_267 : memref<1x128x128xf32, #tpu.memory_space<vmem>> -> memref<128x128xf32, #tpu.memory_space<vmem>>
          %dma_start3A_269 = arith.constant 0 : i32
          %dma_start3A_270 = arith.constant 0 : i32
          %dma_start3A_271 = tpu.memref_slice %run_scoped3A[%rem3A_195, %dma_start3A_269, %dma_start3A_270] : memref<2x1x128xi32, #tpu.memory_space<vmem>> -> memref<1x1x128xi32, #tpu.memory_space<vmem>>
          %dma_start3A_272 = tpu.memref_squeeze %dma_start3A_271 : memref<1x1x128xi32, #tpu.memory_space<vmem>> -> memref<1x128xi32, #tpu.memory_space<vmem>>
          %dma_start3A_273 = arith.constant 0 : i32
          %dma_start3A_274 = tpu.memref_slice %dma_start3A_272[%run_scoped3A_198, %dma_start3A_273] : memref<1x128xi32, #tpu.memory_space<vmem>> -> memref<1x128xi32, #tpu.memory_space<vmem>>
          %dma_start3A_275 = tpu.memref_squeeze %dma_start3A_274 : memref<1x128xi32, #tpu.memory_space<vmem>> -> memref<128xi32, #tpu.memory_space<vmem>>
          %dma_start3A_276 = arith.constant 0 : i32
          %dma_start3A_277 = arith.constant 0 : i32
          %dma_start3A_278 = tpu.memref_slice %arg2[%dma_start3A_276, %dma_start3A_277] : memref<10240x128xf32, #tpu.memory_space<hbm>> -> memref<10240x128xf32, #tpu.memory_space<hbm>>
          tpu.enqueue_indirect_dma source(%dma_start3A_278 : memref<10240x128xf32, #tpu.memory_space<hbm>>) target(%dma_start3A_268 : memref<128x128xf32, #tpu.memory_space<vmem>>) offsets(%dma_start3A_275 : memref<128xi32, #tpu.memory_space<vmem>>) semaphore(%run_scoped3A_264 : memref<!tpu.dma_semaphore, #tpu.memory_space<semaphore_mem>>)
          %dma_wait3A_279 = arith.constant 0 : i32
          %dma_wait3A_280 = arith.constant 0 : i32
          %dma_wait3A_281 = tpu.memref_slice %run_scoped3A_8[%rem3A_197, %dma_wait3A_279, %dma_wait3A_280] : memref<2x128x128xf32, #tpu.memory_space<vmem>> -> memref<1x128x128xf32, #tpu.memory_space<vmem>>
          %dma_wait3A_282 = tpu.memref_squeeze %dma_wait3A_281 : memref<1x128x128xf32, #tpu.memory_space<vmem>> -> memref<128x128xf32, #tpu.memory_space<vmem>>
          %dma_wait3A_283 = arith.constant 0 : i32
          %dma_wait3A_284 = arith.constant 0 : i32
          %dma_wait3A_285 = tpu.memref_slice %run_scoped3A[%rem3A_195, %dma_wait3A_283, %dma_wait3A_284] : memref<2x1x128xi32, #tpu.memory_space<vmem>> -> memref<1x1x128xi32, #tpu.memory_space<vmem>>
          %dma_wait3A_286 = tpu.memref_squeeze %dma_wait3A_285 : memref<1x1x128xi32, #tpu.memory_space<vmem>> -> memref<1x128xi32, #tpu.memory_space<vmem>>
          %dma_wait3A_287 = arith.constant 0 : i32
          %dma_wait3A_288 = tpu.memref_slice %dma_wait3A_286[%run_scoped3A_198, %dma_wait3A_287] : memref<1x128xi32, #tpu.memory_space<vmem>> -> memref<1x128xi32, #tpu.memory_space<vmem>>
          %dma_wait3A_289 = tpu.memref_squeeze %dma_wait3A_288 : memref<1x128xi32, #tpu.memory_space<vmem>> -> memref<128xi32, #tpu.memory_space<vmem>>
          %dma_wait3A_290 = arith.constant 0 : i32
          %dma_wait3A_291 = arith.constant 0 : i32
          %dma_wait3A_292 = tpu.memref_slice %arg2[%dma_wait3A_290, %dma_wait3A_291] : memref<10240x128xf32, #tpu.memory_space<hbm>> -> memref<10240x128xf32, #tpu.memory_space<hbm>>
          tpu.wait_indirect_dma semaphore(%run_scoped3A_264 : memref<!tpu.dma_semaphore, #tpu.memory_space<semaphore_mem>>) src(%dma_wait3A_292 : memref<10240x128xf32, #tpu.memory_space<hbm>>) dst(%dma_wait3A_282 : memref<128x128xf32, #tpu.memory_space<vmem>>)
          tpu.yield
        }) : () -> ()
        "tpu.trace_stop"() : () -> ()
        %ne3A_199 = arith.cmpi ne, %add3A_131, %add3A_149 : i32
        %or3A_200 = arith.constant false
        %or3A_201 = arith.ori %or3A_200, %ne3A_199 : i1
        %or3A_202 = arith.ori %or3A_201, %eq3A_130 : i1
        %convert_element_type3A_203 = arith.extui %or3A_202 : i1 to i32
        %cond3A_204 = arith.constant 0 : i32
        %cond3A_205 = arith.cmpi ne, %convert_element_type3A_203, %cond3A_204 : i32
        scf.if %cond3A_205 {
        } else {
        }
        %and3A_206 = arith.constant false
        %and3A_207 = arith.andi %or3A_202, %and3A_206 : i1
        %ne3A_208 = arith.cmpi ne, %add3A_131, %add3A_149 : i32
        %or3A_209 = arith.constant false
        %or3A_210 = arith.ori %or3A_209, %ne3A_208 : i1
        %or3A_211 = arith.constant false
        %or3A_212 = arith.ori %or3A_210, %or3A_211 : i1
        %or3A_213 = arith.ori %or3A_212, %eq3A_130 : i1
        %convert_element_type3A_214 = arith.extui %or3A_213 : i1 to i32
        %cond3A_215 = arith.constant 0 : i32
        %cond3A_216 = arith.cmpi ne, %convert_element_type3A_214, %cond3A_215 : i32
        scf.if %cond3A_216 {
          "tpu.trace_start"() <{level = 10 : i32, message = "ep_copy_out"}> : () -> ()
          %rem3A_264 = arith.constant 2 : i32
          %rem3A_265 = arith.remui %scan3A_124, %rem3A_264 : i32
          %mul3A_266 = arith.constant 128 : i32
          %mul3A_267 = arith.muli %mul3A_266, %add3A_131 : i32
          %dma_start3A_268 = arith.constant 0 : i32
          %dma_start3A_269 = arith.constant 0 : i32
          %dma_start3A_270 = tpu.memref_slice %run_scoped3A_8[%rem3A_265, %dma_start3A_268, %dma_start3A_269] : memref<2x128x128xf32, #tpu.memory_space<vmem>> -> memref<1x128x128xf32, #tpu.memory_space<vmem>>
          %dma_start3A_271 = tpu.memref_squeeze %dma_start3A_270 : memref<1x128x128xf32, #tpu.memory_space<vmem>> -> memref<128x128xf32, #tpu.memory_space<vmem>>
          %dma_start3A_272 = arith.constant 0 : i32
          %dma_start3A_273 = tpu.memref_slice %arg4[%mul3A_267, %dma_start3A_272] : memref<122880x128xf32, #tpu.memory_space<hbm>> -> memref<128x128xf32, #tpu.memory_space<hbm>>
          %dma_start3A_274 = tpu.memref_slice %run_scoped3A_9[%rem3A_265] : memref<2x!tpu.dma_semaphore, #tpu.memory_space<semaphore_mem>> -> memref<1x!tpu.dma_semaphore, #tpu.memory_space<semaphore_mem>>
          %dma_start3A_275 = tpu.memref_squeeze %dma_start3A_274 : memref<1x!tpu.dma_semaphore, #tpu.memory_space<semaphore_mem>> -> memref<!tpu.dma_semaphore, #tpu.memory_space<semaphore_mem>>
          %dma_start3A_276 = arith.constant 0 : i32
          %dma_start3A_277 = tpu.memref_slice %arg4[%mul3A_267, %dma_start3A_276] : memref<122880x128xf32, #tpu.memory_space<hbm>> -> memref<128x128xf32, #tpu.memory_space<hbm>>
          %dma_start3A_278 = arith.constant 0 : i32
          %dma_start3A_279 = arith.constant 0 : i32
          %dma_start3A_280 = tpu.memref_slice %run_scoped3A_8[%rem3A_265, %dma_start3A_278, %dma_start3A_279] : memref<2x128x128xf32, #tpu.memory_space<vmem>> -> memref<1x128x128xf32, #tpu.memory_space<vmem>>
          %dma_start3A_281 = tpu.memref_squeeze %dma_start3A_280 : memref<1x128x128xf32, #tpu.memory_space<vmem>> -> memref<128x128xf32, #tpu.memory_space<vmem>>
          tpu.enqueue_dma source(%dma_start3A_281 : memref<128x128xf32, #tpu.memory_space<vmem>>) target(%dma_start3A_277 : memref<128x128xf32, #tpu.memory_space<hbm>>) target_semaphore(%dma_start3A_275 : memref<!tpu.dma_semaphore, #tpu.memory_space<semaphore_mem>>)
          "tpu.trace_stop"() : () -> ()
        } else {
        }
        %and3A_217 = arith.constant true
        %and3A_218 = arith.andi %or3A_213, %and3A_217 : i1
        %add3A_219 = arith.constant 1 : i32
        %add3A_220 = arith.addi %scan3A_124, %add3A_219 : i32
        %select_n3A_221 = arith.select %and3A_218, %add3A_220, %scan3A_124 : i32
        %ne3A_222 = arith.cmpi ne, %add3A_131, %add3A_140 : i32
        %or3A_223 = arith.constant false
        %or3A_224 = arith.ori %or3A_223, %ne3A_222 : i1
        %not3A_225 = arith.constant true
        %not3A_226 = arith.xori %eq3A_128, %not3A_225 : i1
        %and3A_227 = arith.andi %or3A_224, %not3A_226 : i1
        %convert_element_type3A_228 = arith.extui %and3A_227 : i1 to i32
        %cond3A_229 = arith.constant 0 : i32
        %cond3A_230 = arith.cmpi ne, %convert_element_type3A_228, %cond3A_229 : i32
        scf.if %cond3A_230 {
        } else {
        }
        %and3A_231 = arith.constant false
        %and3A_232 = arith.andi %and3A_227, %and3A_231 : i1
        %ne3A_233 = arith.cmpi ne, %add3A_131, %add3A_140 : i32
        %or3A_234 = arith.constant false
        %or3A_235 = arith.ori %or3A_234, %ne3A_233 : i1
        %or3A_236 = arith.constant false
        %or3A_237 = arith.ori %or3A_235, %or3A_236 : i1
        %not3A_238 = arith.constant true
        %not3A_239 = arith.xori %eq3A_128, %not3A_238 : i1
        %and3A_240 = arith.andi %or3A_237, %not3A_239 : i1
        %convert_element_type3A_241 = arith.extui %and3A_240 : i1 to i32
        %cond3A_242 = arith.constant 0 : i32
        %cond3A_243 = arith.cmpi ne, %convert_element_type3A_241, %cond3A_242 : i32
        scf.if %cond3A_243 {
          "tpu.trace_start"() <{level = 10 : i32, message = "ep_wait_out"}> : () -> ()
          %rem3A_264 = arith.constant 2 : i32
          %rem3A_265 = arith.remui %scan3A_125, %rem3A_264 : i32
          %mul3A_266 = arith.constant 128 : i32
          %mul3A_267 = arith.muli %mul3A_266, %add3A_140 : i32
          %dma_wait3A_268 = arith.constant 0 : i32
          %dma_wait3A_269 = arith.constant 0 : i32
          %dma_wait3A_270 = tpu.memref_slice %run_scoped3A_8[%rem3A_265, %dma_wait3A_268, %dma_wait3A_269] : memref<2x128x128xf32, #tpu.memory_space<vmem>> -> memref<1x128x128xf32, #tpu.memory_space<vmem>>
          %dma_wait3A_271 = tpu.memref_squeeze %dma_wait3A_270 : memref<1x128x128xf32, #tpu.memory_space<vmem>> -> memref<128x128xf32, #tpu.memory_space<vmem>>
          %dma_wait3A_272 = arith.constant 0 : i32
          %dma_wait3A_273 = tpu.memref_slice %arg4[%mul3A_267, %dma_wait3A_272] : memref<122880x128xf32, #tpu.memory_space<hbm>> -> memref<128x128xf32, #tpu.memory_space<hbm>>
          %dma_wait3A_274 = tpu.memref_slice %run_scoped3A_9[%rem3A_265] : memref<2x!tpu.dma_semaphore, #tpu.memory_space<semaphore_mem>> -> memref<1x!tpu.dma_semaphore, #tpu.memory_space<semaphore_mem>>
          %dma_wait3A_275 = tpu.memref_squeeze %dma_wait3A_274 : memref<1x!tpu.dma_semaphore, #tpu.memory_space<semaphore_mem>> -> memref<!tpu.dma_semaphore, #tpu.memory_space<semaphore_mem>>
          %dma_wait3A_276 = arith.constant 0 : i32
          %dma_wait3A_277 = tpu.memref_slice %arg4[%mul3A_267, %dma_wait3A_276] : memref<122880x128xf32, #tpu.memory_space<hbm>> -> memref<128x128xf32, #tpu.memory_space<hbm>>
          %dma_wait3A_278 = arith.constant 0 : i32
          %dma_wait3A_279 = arith.constant 0 : i32
          %dma_wait3A_280 = tpu.memref_slice %run_scoped3A_8[%rem3A_265, %dma_wait3A_278, %dma_wait3A_279] : memref<2x128x128xf32, #tpu.memory_space<vmem>> -> memref<1x128x128xf32, #tpu.memory_space<vmem>>
          %dma_wait3A_281 = tpu.memref_squeeze %dma_wait3A_280 : memref<1x128x128xf32, #tpu.memory_space<vmem>> -> memref<128x128xf32, #tpu.memory_space<vmem>>
          tpu.wait_dma2 semaphore(%dma_wait3A_275 : memref<!tpu.dma_semaphore, #tpu.memory_space<semaphore_mem>>) src(%dma_wait3A_281 : memref<128x128xf32, #tpu.memory_space<vmem>>) dst(%dma_wait3A_277 : memref<128x128xf32, #tpu.memory_space<hbm>>)
          "tpu.trace_stop"() : () -> ()
        } else {
        }
        %and3A_244 = arith.constant true
        %and3A_245 = arith.andi %and3A_240, %and3A_244 : i1
        %add3A_246 = arith.constant 1 : i32
        %add3A_247 = arith.addi %scan3A_125, %add3A_246 : i32
        %select_n3A_248 = arith.select %and3A_245, %add3A_247, %scan3A_125 : i32
        %ne3A_249 = arith.cmpi ne, %add3A_131, %add3A_149 : i32
        %or3A_250 = arith.constant false
        %or3A_251 = arith.ori %or3A_250, %ne3A_249 : i1
        %or3A_252 = arith.ori %or3A_251, %eq3A_130 : i1
        %add3A_253 = arith.constant 1 : i32
        %add3A_254 = arith.addi %scan3A_123, %add3A_253 : i32
        %select_n3A_255 = arith.select %or3A_252, %add3A_254, %scan3A_123 : i32
        %add3A_256 = arith.constant 1 : i32
        %add3A_257 = arith.addi %scan3A_126, %add3A_256 : i32
        %select_n3A_258 = arith.constant true
        %select_n3A_259 = arith.select %select_n3A_258, %add3A_257, %scan3A_126 : i32
        %eq3A_260 = arith.constant 30 : i32
        %eq3A_261 = arith.cmpi eq, %select_n3A_259, %eq3A_260 : i32
        %select_n3A_262 = arith.constant 0 : i32
        %select_n3A_263 = arith.select %eq3A_261, %select_n3A_262, %select_n3A_259 : i32
        scf.yield %select_n3A_167, %select_n3A_255, %select_n3A_221, %select_n3A_248, %select_n3A_263 : i32, i32, i32, i32, i32
      }
      %scan3A_68 = arith.constant 30 : i32
      %sub3A = arith.constant 1 : i32
      %sub3A_69 = arith.subi %scan3A_67#4, %sub3A : i32
      %select_n3A_70 = arith.constant true
      %select_n3A_71 = arith.select %select_n3A_70, %sub3A_69, %scan3A_67#4 : i32
      %eq3A_72 = arith.constant -1 : i32
      %eq3A_73 = arith.cmpi eq, %select_n3A_71, %eq3A_72 : i32
      %select_n3A_74 = arith.constant 29 : i32
      %select_n3A_75 = arith.select %eq3A_73, %select_n3A_74, %select_n3A_71 : i32
      %add3A_76 = arith.addi %select_n3A_75, %mul3A_6 : i32
      %sub3A_77 = arith.constant 1 : i32
      %sub3A_78 = arith.subi %select_n3A_75, %sub3A_77 : i32
      %select_n3A_79 = arith.constant true
      %select_n3A_80 = arith.select %select_n3A_79, %sub3A_78, %select_n3A_75 : i32
      %eq3A_81 = arith.constant -1 : i32
      %eq3A_82 = arith.cmpi eq, %select_n3A_80, %eq3A_81 : i32
      %select_n3A_83 = arith.constant 29 : i32
      %select_n3A_84 = arith.select %eq3A_82, %select_n3A_83, %select_n3A_80 : i32
      %add3A_85 = arith.addi %select_n3A_84, %mul3A_6 : i32
      %add3A_86 = arith.constant 1 : i32
      %add3A_87 = arith.addi %select_n3A_75, %add3A_86 : i32
      %select_n3A_88 = arith.constant true
      %select_n3A_89 = arith.select %select_n3A_88, %add3A_87, %select_n3A_75 : i32
      %eq3A_90 = arith.constant 30 : i32
      %eq3A_91 = arith.cmpi eq, %select_n3A_89, %eq3A_90 : i32
      %select_n3A_92 = arith.constant 0 : i32
      %select_n3A_93 = arith.select %eq3A_91, %select_n3A_92, %select_n3A_89 : i32
      %add3A_94 = arith.addi %select_n3A_93, %mul3A_6 : i32
      %add3A_95 = arith.constant 1 : i32
      %add3A_96 = arith.addi %select_n3A_93, %add3A_95 : i32
      %select_n3A_97 = arith.constant true
      %select_n3A_98 = arith.select %select_n3A_97, %add3A_96, %select_n3A_93 : i32
      %eq3A_99 = arith.constant 30 : i32
      %eq3A_100 = arith.cmpi eq, %select_n3A_98, %eq3A_99 : i32
      %select_n3A_101 = arith.constant 0 : i32
      %select_n3A_102 = arith.select %eq3A_100, %select_n3A_101, %select_n3A_98 : i32
      %add3A_103 = arith.addi %select_n3A_102, %mul3A_6 : i32
      "tpu.trace_start"() <{level = 10 : i32, message = "ep_finalize"}> : () -> ()
      %rem3A_104 = arith.constant 2 : i32
      %rem3A_105 = arith.remui %scan3A_67#3, %rem3A_104 : i32
      %mul3A_106 = arith.constant 128 : i32
      %mul3A_107 = arith.muli %mul3A_106, %add3A_76 : i32
      %dma_wait3A = arith.constant 0 : i32
      %dma_wait3A_108 = arith.constant 0 : i32
      %dma_wait3A_109 = tpu.memref_slice %run_scoped3A_8[%rem3A_105, %dma_wait3A, %dma_wait3A_108] : memref<2x128x128xf32, #tpu.memory_space<vmem>> -> memref<1x128x128xf32, #tpu.memory_space<vmem>>
      %dma_wait3A_110 = tpu.memref_squeeze %dma_wait3A_109 : memref<1x128x128xf32, #tpu.memory_space<vmem>> -> memref<128x128xf32, #tpu.memory_space<vmem>>
      %dma_wait3A_111 = arith.constant 0 : i32
      %dma_wait3A_112 = tpu.memref_slice %arg4[%mul3A_107, %dma_wait3A_111] : memref<122880x128xf32, #tpu.memory_space<hbm>> -> memref<128x128xf32, #tpu.memory_space<hbm>>
      %dma_wait3A_113 = tpu.memref_slice %run_scoped3A_9[%rem3A_105] : memref<2x!tpu.dma_semaphore, #tpu.memory_space<semaphore_mem>> -> memref<1x!tpu.dma_semaphore, #tpu.memory_space<semaphore_mem>>
      %dma_wait3A_114 = tpu.memref_squeeze %dma_wait3A_113 : memref<1x!tpu.dma_semaphore, #tpu.memory_space<semaphore_mem>> -> memref<!tpu.dma_semaphore, #tpu.memory_space<semaphore_mem>>
      %dma_wait3A_115 = arith.constant 0 : i32
      %dma_wait3A_116 = tpu.memref_slice %arg4[%mul3A_107, %dma_wait3A_115] : memref<122880x128xf32, #tpu.memory_space<hbm>> -> memref<128x128xf32, #tpu.memory_space<hbm>>
      %dma_wait3A_117 = arith.constant 0 : i32
      %dma_wait3A_118 = arith.constant 0 : i32
      %dma_wait3A_119 = tpu.memref_slice %run_scoped3A_8[%rem3A_105, %dma_wait3A_117, %dma_wait3A_118] : memref<2x128x128xf32, #tpu.memory_space<vmem>> -> memref<1x128x128xf32, #tpu.memory_space<vmem>>
      %dma_wait3A_120 = tpu.memref_squeeze %dma_wait3A_119 : memref<1x128x128xf32, #tpu.memory_space<vmem>> -> memref<128x128xf32, #tpu.memory_space<vmem>>
      tpu.wait_dma2 semaphore(%dma_wait3A_114 : memref<!tpu.dma_semaphore, #tpu.memory_space<semaphore_mem>>) src(%dma_wait3A_120 : memref<128x128xf32, #tpu.memory_space<vmem>>) dst(%dma_wait3A_116 : memref<128x128xf32, #tpu.memory_space<hbm>>)
      "tpu.trace_stop"() : () -> ()
      tpu.yield
    }) : () -> ()
    return
  }
}

module attributes {stable_mosaic.version = 14 : i64} {
  func.func @_tc_h_body(%arg0: i32, %arg1: memref<2x1280x128xf32, #tpu.memory_space<vmem>>, %arg2: memref<1280x32xf32, #tpu.memory_space<vmem>>, %arg3: memref<128x128xf32, #tpu.memory_space<vmem>>, %arg4: memref<128x128xf32, #tpu.memory_space<vmem>>, %arg5: memref<1x128xf32, #tpu.memory_space<vmem>>, %arg6: memref<1x128xf32, #tpu.memory_space<vmem>>, %arg7: memref<1280x128xf32, #tpu.memory_space<vmem>>) attributes {dimension_semantics = [#tpu.dimension_semantics<arbitrary>], iteration_bounds = array<i64: 8>, scalar_prefetch = 0 : i64, scratch_operands = 0 : i64, tpu.core_type = #tpu.core_type<tc>, window_params = [{transform_indices = @transform_0, window_bounds = array<i64: 2, 1280, 128>}, {transform_indices = @transform_1, window_bounds = array<i64: 1280, 32>}, {pipeline_mode = #tpu.pipeline_mode<synchronous>, transform_indices = @transform_2, window_bounds = array<i64: 128, 128>}, {pipeline_mode = #tpu.pipeline_mode<synchronous>, transform_indices = @transform_3, window_bounds = array<i64: 128, 128>}, {pipeline_mode = #tpu.pipeline_mode<synchronous>, transform_indices = @transform_4, window_bounds = array<i64: 1, 128>}, {pipeline_mode = #tpu.pipeline_mode<synchronous>, transform_indices = @transform_5, window_bounds = array<i64: 1, 128>}, {transform_indices = @transform_6, window_bounds = array<i64: 1280, 128>}]} {
    %get3A = arith.constant 0 : index
    %get3A_0 = arith.constant 0 : index
    %get3A_1 = arith.constant 0 : index
    %get3A_2 = vector.load %arg1[%get3A, %get3A_0, %get3A_1] : memref<2x1280x128xf32, #tpu.memory_space<vmem>>, vector<1x1280x128xf32>
    %get3A_3 = vector.shape_cast %get3A_2 : vector<1x1280x128xf32> to vector<1280x128xf32>
    %get3A_4 = arith.constant 1 : index
    %get3A_5 = arith.constant 0 : index
    %get3A_6 = arith.constant 0 : index
    %get3A_7 = vector.load %arg1[%get3A_4, %get3A_5, %get3A_6] : memref<2x1280x128xf32, #tpu.memory_space<vmem>>, vector<1x1280x128xf32>
    %get3A_8 = vector.shape_cast %get3A_7 : vector<1x1280x128xf32> to vector<1280x128xf32>
    %add3A = arith.addf %get3A_3, %get3A_8 : vector<1280x128xf32>
    %get3A_9 = arith.constant 0 : index
    %get3A_10 = arith.constant 0 : index
    %get3A_11 = vector.load %arg2[%get3A_9, %get3A_10] : memref<1280x32xf32, #tpu.memory_space<vmem>>, vector<1280x32xf32>
    %reduce_sum3A = arith.constant dense<0.000000e+00> : vector<1280xf32>
    %reduce_sum3A_12 = vector.multi_reduction <add>, %get3A_11, %reduce_sum3A [1] : vector<1280x32xf32> to vector<1280xf32>
    %broadcast_in_dim3A = vector.shape_cast %reduce_sum3A_12 : vector<1280xf32> to vector<1280x1xf32>
    %max3A = arith.constant 1.000000e+00 : f32
    %max3A_13 = vector.broadcast %max3A : f32 to vector<1280x1xf32>
    %max3A_14 = arith.maximumf %broadcast_in_dim3A, %max3A_13 : vector<1280x1xf32>
    %div3A = vector.broadcast %max3A_14 : vector<1280x1xf32> to vector<1280x128xf32>
    %div3A_15 = arith.divf %add3A, %div3A : vector<1280x128xf32>
    %get3A_16 = arith.constant 0 : index
    %get3A_17 = arith.constant 0 : index
    %get3A_18 = vector.load %arg3[%get3A_16, %get3A_17] : memref<128x128xf32, #tpu.memory_space<vmem>>, vector<128x128xf32>
    %get3A_19 = arith.constant 0 : index
    %get3A_20 = arith.constant 0 : index
    %get3A_21 = vector.load %arg4[%get3A_19, %get3A_20] : memref<128x128xf32, #tpu.memory_space<vmem>>, vector<128x128xf32>
    %dot_general3A = arith.constant dense<0.000000e+00> : vector<128x128xf32>
    %dot_general3A_22 = tpu.matmul %get3A_18, %get3A_21, %dot_general3A {dimension_numbers = #tpu.dot_dimension_numbers<[1], [0], [0], [1], [0, 0, 1, 1], [], []>, transpose_lhs_hint = false} : vector<128x128xf32>, vector<128x128xf32>, vector<128x128xf32> -> vector<128x128xf32>
    %get3A_23 = arith.constant 0 : index
    %get3A_24 = arith.constant 0 : index
    %get3A_25 = vector.load %arg5[%get3A_23, %get3A_24] : memref<1x128xf32, #tpu.memory_space<vmem>>, vector<1x128xf32>
    %get3A_26 = arith.constant 0 : index
    %get3A_27 = arith.constant 0 : index
    %get3A_28 = vector.load %arg4[%get3A_26, %get3A_27] : memref<128x128xf32, #tpu.memory_space<vmem>>, vector<128x128xf32>
    %dot_general3A_29 = arith.constant dense<0.000000e+00> : vector<1x128xf32>
    %dot_general3A_30 = tpu.matmul %get3A_25, %get3A_28, %dot_general3A_29 {dimension_numbers = #tpu.dot_dimension_numbers<[1], [0], [0], [1], [0, 0, 1, 1], [], []>, transpose_lhs_hint = false} : vector<1x128xf32>, vector<128x128xf32>, vector<1x128xf32> -> vector<1x128xf32>
    %dot_general3A_31 = arith.constant dense<0.000000e+00> : vector<1280x128xf32>
    %dot_general3A_32 = tpu.matmul %div3A_15, %dot_general3A_22, %dot_general3A_31 {dimension_numbers = #tpu.dot_dimension_numbers<[1], [0], [0], [1], [0, 0, 1, 1], [], []>, transpose_lhs_hint = false} : vector<1280x128xf32>, vector<128x128xf32>, vector<1280x128xf32> -> vector<1280x128xf32>
    %gt3A = arith.constant 0.000000e+00 : f32
    %gt3A_33 = vector.broadcast %gt3A : f32 to vector<1280x1xf32>
    %gt3A_34 = arith.cmpf ogt, %broadcast_in_dim3A, %gt3A_33 : vector<1280x1xf32>
    %jit3A = arith.constant 1.000000e+00 : f32
    %jit3A_35 = arith.constant 0.000000e+00 : f32
    %broadcast_in_dim3A_36 = vector.broadcast %jit3A : f32 to vector<1280x1xf32>
    %broadcast_in_dim3A_37 = vector.broadcast %jit3A_35 : f32 to vector<1280x1xf32>
    %select_n3A = arith.select %gt3A_34, %broadcast_in_dim3A_36, %broadcast_in_dim3A_37 : vector<1280x1xi1>, vector<1280x1xf32>
    %mul3A = vector.broadcast %select_n3A : vector<1280x1xf32> to vector<1280x128xf32>
    %mul3A_38 = vector.broadcast %dot_general3A_30 : vector<1x128xf32> to vector<1280x128xf32>
    %mul3A_39 = arith.mulf %mul3A, %mul3A_38 : vector<1280x128xf32>
    %add3A_40 = arith.addf %dot_general3A_32, %mul3A_39 : vector<1280x128xf32>
    %get3A_41 = arith.constant 0 : index
    %get3A_42 = arith.constant 0 : index
    %get3A_43 = vector.load %arg6[%get3A_41, %get3A_42] : memref<1x128xf32, #tpu.memory_space<vmem>>, vector<1x128xf32>
    %add3A_44 = vector.broadcast %get3A_43 : vector<1x128xf32> to vector<1280x128xf32>
    %add3A_45 = arith.addf %add3A_40, %add3A_44 : vector<1280x128xf32>
    %max3A_46 = arith.constant 0.000000e+00 : f32
    %max3A_47 = vector.broadcast %max3A_46 : f32 to vector<1280x128xf32>
    %max3A_48 = arith.maximumf %add3A_45, %max3A_47 : vector<1280x128xf32>
    %swap3A = arith.constant 0 : index
    %swap3A_49 = arith.constant 0 : index
    %swap3A_50 = vector.load %arg7[%swap3A, %swap3A_49] : memref<1280x128xf32, #tpu.memory_space<vmem>>, vector<1280x128xf32>
    tpu.vector_store %arg7[%swap3A, %swap3A_49], %max3A_48 {strides = array<i32>} : memref<1280x128xf32, #tpu.memory_space<vmem>>, vector<1280x128xf32>,
    return
  }
  func.func @transform_0(%arg0: i32) -> (i32, i32, i32) {
    %c0_i32 = arith.constant 0 : i32
    %c0_i32_0 = arith.constant 0 : i32
    %c0_i32_1 = arith.constant 0 : i32
    return %c0_i32, %arg0, %c0_i32_0 : i32, i32, i32
  }
  func.func @transform_1(%arg0: i32) -> (i32, i32) {
    %c0_i32 = arith.constant 0 : i32
    %c0_i32_0 = arith.constant 0 : i32
    return %arg0, %c0_i32 : i32, i32
  }
  func.func @transform_2(%arg0: i32) -> (i32, i32) {
    %c0_i32 = arith.constant 0 : i32
    %c0_i32_0 = arith.constant 0 : i32
    %c0_i32_1 = arith.constant 0 : i32
    return %c0_i32, %c0_i32_0 : i32, i32
  }
  func.func @transform_3(%arg0: i32) -> (i32, i32) {
    %c0_i32 = arith.constant 0 : i32
    %c0_i32_0 = arith.constant 0 : i32
    %c0_i32_1 = arith.constant 0 : i32
    return %c0_i32, %c0_i32_0 : i32, i32
  }
  func.func @transform_4(%arg0: i32) -> (i32, i32) {
    %c0_i32 = arith.constant 0 : i32
    %c0_i32_0 = arith.constant 0 : i32
    %c0_i32_1 = arith.constant 0 : i32
    return %c0_i32, %c0_i32_0 : i32, i32
  }
  func.func @transform_5(%arg0: i32) -> (i32, i32) {
    %c0_i32 = arith.constant 0 : i32
    %c0_i32_0 = arith.constant 0 : i32
    %c0_i32_1 = arith.constant 0 : i32
    return %c0_i32, %c0_i32_0 : i32, i32
  }
  func.func @transform_6(%arg0: i32) -> (i32, i32) {
    %c0_i32 = arith.constant 0 : i32
    %c0_i32_0 = arith.constant 0 : i32
    return %arg0, %c0_i32 : i32, i32
  }
}

module attributes {stable_mosaic.version = 14 : i64} {
  func.func @_tc_loss_body(%arg0: i32, %arg1: memref<1000x128xf32, #tpu.memory_space<vmem>>, %arg2: memref<1000x128xf32, #tpu.memory_space<vmem>>, %arg3: memref<10000x128xf32, #tpu.memory_space<vmem>>, %arg4: memref<1000x1xf32, #tpu.memory_space<vmem>>, %arg5: memref<1x1xf32, #tpu.memory_space<vmem>>) attributes {dimension_semantics = [#tpu.dimension_semantics<arbitrary>], iteration_bounds = array<i64: 10>, scalar_prefetch = 0 : i64, scratch_operands = 0 : i64, tpu.core_type = #tpu.core_type<tc>, window_params = [{transform_indices = @transform_0, window_bounds = array<i64: 1000, 128>}, {transform_indices = @transform_1, window_bounds = array<i64: 1000, 128>}, {transform_indices = @transform_2, window_bounds = array<i64: 10000, 128>}, {transform_indices = @transform_3, window_bounds = array<i64: 1000, 1>}, {pipeline_mode = #tpu.pipeline_mode<synchronous>, transform_indices = @transform_4, window_bounds = array<i64: 1, 1>}]} {
    %get3A = arith.constant 0 : index
    %get3A_0 = arith.constant 0 : index
    %get3A_1 = vector.load %arg1[%get3A, %get3A_0] : memref<1000x128xf32, #tpu.memory_space<vmem>>, vector<1000x128xf32>
    %get3A_2 = arith.constant 0 : index
    %get3A_3 = arith.constant 0 : index
    %get3A_4 = vector.load %arg2[%get3A_2, %get3A_3] : memref<1000x128xf32, #tpu.memory_space<vmem>>, vector<1000x128xf32>
    %mul3A = arith.mulf %get3A_1, %get3A_4 : vector<1000x128xf32>
    %reduce_sum3A = arith.constant dense<0.000000e+00> : vector<1000xf32>
    %reduce_sum3A_5 = vector.multi_reduction <add>, %mul3A, %reduce_sum3A [1] : vector<1000x128xf32> to vector<1000xf32>
    %broadcast_in_dim3A = vector.shape_cast %reduce_sum3A_5 : vector<1000xf32> to vector<1000x1xf32>
    %get3A_6 = arith.constant 0 : index
    %get3A_7 = arith.constant 0 : index
    %get3A_8 = vector.load %arg3[%get3A_6, %get3A_7] : memref<10000x128xf32, #tpu.memory_space<vmem>>, vector<10000x128xf32>
    %reshape3A = vector.shape_cast %get3A_8 : vector<10000x128xf32> to vector<1000x10x128xf32>
    %broadcast_in_dim3A_9 = vector.shape_cast %get3A_1 : vector<1000x128xf32> to vector<1000x1x128xf32>
    %mul3A_10 = vector.broadcast %broadcast_in_dim3A_9 : vector<1000x1x128xf32> to vector<1000x10x128xf32>
    %mul3A_11 = arith.mulf %mul3A_10, %reshape3A : vector<1000x10x128xf32>
    %reduce_sum3A_12 = arith.constant dense<0.000000e+00> : vector<1000x10xf32>
    %reduce_sum3A_13 = vector.multi_reduction <add>, %mul3A_11, %reduce_sum3A_12 [2] : vector<1000x10x128xf32> to vector<1000x10xf32>
    %neg3A = arith.constant 0.000000e+00 : f32
    %neg3A_14 = vector.broadcast %neg3A : f32 to vector<1000x1xf32>
    %neg3A_15 = arith.subf %neg3A_14, %broadcast_in_dim3A : vector<1000x1xf32>
    %max3A = arith.constant 0.000000e+00 : f32
    %max3A_16 = vector.broadcast %max3A : f32 to vector<1000x1xf32>
    %max3A_17 = arith.maximumf %neg3A_15, %max3A_16 : vector<1000x1xf32>
    %abs3A = math.absf %neg3A_15 : vector<1000x1xf32>
    %neg3A_18 = arith.constant 0.000000e+00 : f32
    %neg3A_19 = vector.broadcast %neg3A_18 : f32 to vector<1000x1xf32>
    %neg3A_20 = arith.subf %neg3A_19, %abs3A : vector<1000x1xf32>
    %exp3A = math.exp %neg3A_20 : vector<1000x1xf32>
    %log1p3A = math.log1p %exp3A : vector<1000x1xf32>
    %add3A = arith.addf %max3A_17, %log1p3A : vector<1000x1xf32>
    %max3A_21 = arith.constant 0.000000e+00 : f32
    %max3A_22 = vector.broadcast %max3A_21 : f32 to vector<1000x10xf32>
    %max3A_23 = arith.maximumf %reduce_sum3A_13, %max3A_22 : vector<1000x10xf32>
    %abs3A_24 = math.absf %reduce_sum3A_13 : vector<1000x10xf32>
    %neg3A_25 = arith.constant 0.000000e+00 : f32
    %neg3A_26 = vector.broadcast %neg3A_25 : f32 to vector<1000x10xf32>
    %neg3A_27 = arith.subf %neg3A_26, %abs3A_24 : vector<1000x10xf32>
    %exp3A_28 = math.exp %neg3A_27 : vector<1000x10xf32>
    %log1p3A_29 = math.log1p %exp3A_28 : vector<1000x10xf32>
    %add3A_30 = arith.addf %max3A_23, %log1p3A_29 : vector<1000x10xf32>
    %reduce_sum3A_31 = arith.constant dense<0.000000e+00> : vector<1000xf32>
    %reduce_sum3A_32 = vector.multi_reduction <add>, %add3A_30, %reduce_sum3A_31 [1] : vector<1000x10xf32> to vector<1000xf32>
    %broadcast_in_dim3A_33 = vector.shape_cast %reduce_sum3A_32 : vector<1000xf32> to vector<1000x1xf32>
    %add3A_34 = arith.addf %add3A, %broadcast_in_dim3A_33 : vector<1000x1xf32>
    %get3A_35 = arith.constant 0 : index
    %get3A_36 = arith.constant 0 : index
    %get3A_37 = vector.load %arg4[%get3A_35, %get3A_36] : memref<1000x1xf32, #tpu.memory_space<vmem>>, vector<1000x1xf32>
    %mul3A_38 = arith.mulf %add3A_34, %get3A_37 : vector<1000x1xf32>
    %reduce_sum3A_39 = vector.shape_cast %mul3A_38 : vector<1000x1xf32> to vector<1x1000x1xf32>
    %reduce_sum3A_40 = arith.constant dense<0.000000e+00> : vector<1xf32>
    %reduce_sum3A_41 = vector.multi_reduction <add>, %reduce_sum3A_39, %reduce_sum3A_40 [1, 2] : vector<1x1000x1xf32> to vector<1xf32>
    %reduce_sum3A_42 = vector.shape_cast %reduce_sum3A_41 : vector<1xf32> to vector<1x1x1xf32>
    %reduce_sum3A_43 = vector.extract %reduce_sum3A_42[0, 0, 0] : f32 from vector<1x1x1xf32>
    %broadcast_in_dim3A_44 = vector.broadcast %reduce_sum3A_43 : f32 to vector<1x1xf32>
    %mul3A_45 = arith.constant 9.99999974E-5 : f32
    %mul3A_46 = vector.broadcast %mul3A_45 : f32 to vector<1x1xf32>
    %mul3A_47 = arith.mulf %broadcast_in_dim3A_44, %mul3A_46 : vector<1x1xf32>
    %eq3A = arith.constant 0 : i32
    %eq3A_48 = arith.cmpi eq, %arg0, %eq3A : i32
    %convert_element_type3A = arith.extui %eq3A_48 : i1 to i32
    %cond3A = arith.constant 0 : i32
    %cond3A_49 = arith.cmpi ne, %convert_element_type3A, %cond3A : i32
    scf.if %cond3A_49 {
      %broadcast_in_dim3A_56 = arith.constant 0.000000e+00 : f32
      %broadcast_in_dim3A_57 = vector.broadcast %broadcast_in_dim3A_56 : f32 to vector<1x1xf32>
      %swap3A_58 = arith.constant 0 : index
      %swap3A_59 = arith.constant 0 : index
      %swap3A_60 = vector.load %arg5[%swap3A_58, %swap3A_59] : memref<1x1xf32, #tpu.memory_space<vmem>>, vector<1x1xf32>
      tpu.vector_store %arg5[%swap3A_58, %swap3A_59], %broadcast_in_dim3A_57 {strides = array<i32>} : memref<1x1xf32, #tpu.memory_space<vmem>>, vector<1x1xf32>,
    } else {
    }
    %get3A_50 = arith.constant 0 : index
    %get3A_51 = arith.constant 0 : index
    %get3A_52 = vector.load %arg5[%get3A_50, %get3A_51] : memref<1x1xf32, #tpu.memory_space<vmem>>, vector<1x1xf32>
    %add3A_53 = arith.addf %get3A_52, %mul3A_47 : vector<1x1xf32>
    %swap3A = arith.constant 0 : index
    %swap3A_54 = arith.constant 0 : index
    %swap3A_55 = vector.load %arg5[%swap3A, %swap3A_54] : memref<1x1xf32, #tpu.memory_space<vmem>>, vector<1x1xf32>
    tpu.vector_store %arg5[%swap3A, %swap3A_54], %add3A_53 {strides = array<i32>} : memref<1x1xf32, #tpu.memory_space<vmem>>, vector<1x1xf32>,
    return
  }
  func.func @transform_0(%arg0: i32) -> (i32, i32) {
    %c0_i32 = arith.constant 0 : i32
    %c0_i32_0 = arith.constant 0 : i32
    return %arg0, %c0_i32 : i32, i32
  }
  func.func @transform_1(%arg0: i32) -> (i32, i32) {
    %add3A = arith.constant 10 : i32
    %add3A_0 = arith.addi %arg0, %add3A : i32
    %c0_i32 = arith.constant 0 : i32
    %c0_i32_1 = arith.constant 0 : i32
    return %add3A_0, %c0_i32 : i32, i32
  }
  func.func @transform_2(%arg0: i32) -> (i32, i32) {
    %add3A = arith.constant 2 : i32
    %add3A_0 = arith.addi %arg0, %add3A : i32
    %c0_i32 = arith.constant 0 : i32
    %c0_i32_1 = arith.constant 0 : i32
    return %add3A_0, %c0_i32 : i32, i32
  }
  func.func @transform_3(%arg0: i32) -> (i32, i32) {
    %c0_i32 = arith.constant 0 : i32
    %c0_i32_0 = arith.constant 0 : i32
    return %arg0, %c0_i32 : i32, i32
  }
  func.func @transform_4(%arg0: i32) -> (i32, i32) {
    %c0_i32 = arith.constant 0 : i32
    %c0_i32_0 = arith.constant 0 : i32
    %c0_i32_1 = arith.constant 0 : i32
    return %c0_i32, %c0_i32_0 : i32, i32
  }
}

</mosaic_0001>

<sc_bundles>
// kernel: kernel.6.cloned.1.call-start
scs
__scs_entry_jumppad:
0x0: {  	(pc) =	sbr.rel $0x88, $3  }
0x1: {  	(tag) =	ssettag $0x0;
	lr =	simm.s32 $0x1  }
0x2: {  	[smem:$0x3F97] =	sst lr;
	_ =	strace $0xD0000000  }
0x3: {  	_ = 	snop  }
0x4: {  	_ = 	snop  }
0x5: {  	_ = 	snop  }
0x6: {  	_ = 	snop  }
0x7: {  	_ = 	snop  }
__scs_overlays_trampoline_lowered:
0x8: {  	[smem:$0x3FA6] =	sst s0  }
0x9: {  	[smem:$0x3FA7] =	sst s1  }
0xa: {  	[smem:$0x3FA8] =	sst s2  }
0xb: {  	[smem:$0x3FA9] =	sst s3  }
0xc: {  	[smem:$0x3FAA] =	sst s4  }
0xd: {  	[smem:$0x3FAB] =	sst s5  }
0xe: {  	[smem:$0x3FAC] =	sst s6  }
0xf: {  	[smem:$0x3FAD] =	sst s7  }
0x10: {  	[smem:$0x3FAE] =	sst s8  }
0x11: {  	[smem:$0x3FAF] =	sst s9;
	s0 =	simm.s32 @!p0 $0x0  }
0x12: {  	s1 =	sld [smem:$0x3F95];
	s0 =	simm.s32 @p0 $0x1  }
0x13: {  	[smem:$0x3FB0] =	sst s0;
	s0 =	simm.s32 @!p1 $0x0  }
0x14: {  	s2 =	sld [smem:$0x3F94];
	s0 =	simm.s32 @p1 $0x1  }
0x15: {  	[smem:$0x3FB1] =	sst s0;
	s0 =	simm.s32 @!p2 $0x0  }
0x16: {  	s3 =	sld [smem:$0x3FDB];
	s0 =	simm.s32 @p2 $0x1  }
0x17: {  	s4 =	simm.s32 $0x1BF5;
	[smem:$0x3FB3] =	sst s0  }
0x18: {  	s0 =	sld [smem:$0x3F96];
	_ =	swait.ge [sflag:s4], $0x0  }
0x19: {  	s7 =	sld [smem:$0x3F97]  }
0x1a: {  	s8 =	sadd.s32 $0xFFFFE003, lr  }
0x1b: {  	s9 =	sadd.s32 $0xFFFFFEF7, lr;
	s5 =	simm.s32 $0xFFFFFFFF;
	p2 =	slt.u32 s8, $0xFFFFF086  }
0x1c: {  	p1 =	slt.u32 s9, $0xF7A;
	s5 =	simm.s32 @!p2 $0x0  }
0x1d: {  	s5 =	simm.s32 @p1 $0x1;
	p0 =	seq.s32 s7, s2  }
0x1e: {  	s7 =	smul.u32 @!p0 $0xF7A, s2;
	p2 =	seq.s32 @!p0 s5, $0x0  }
0x1f: {  	s9 =	smul.u32 $0xF7A, s1;
	s8 =	simm.s32 @!p0 $0x1BF5;
	p2 =	por !p2, p0  }
0x20: {  	[sflag:s8] =	ssyncset.s32 @!p0 $0xFFFFF086;
	s6 =	sadd.s32 @!p0 s3, s7;
	s7 =	simm.s32 @!p0 $0x108  }
0x21: {  	s3 =	sadd.s32 s3, s9;
	s6 =	sadd.s32 @!p0 $0x88, s6;
	s7 =	simm.s32 @p2 $0x1082  }
0x22: {  	[simem:s7], [sflag:s8] =	dma.local @!p0 [hbm:s6], $0xF7A  }
0x23: {  	s9 =	sor.u32 $0xD0000000, s2;
	s6 =	simm.s32 $0x108;
	_ =	swait.ge @!p0 [sflag:s8], $0x0  }
0x24: {  	s3 =	sadd.s32 $0x88, s3;
	s6 =	simm.s32 @!p1 $0x1082;
	[sflag:s4] =	ssyncset.s32 $0xFFFFF086  }
0x25: {  	[simem:s6], [sflag:s4] =	dma.local [hbm:s3], $0xF7A  }
0x26: {  	[smem:$0x3F97] =	sst s1;
	(tag) =	ssettag s2;
	_ =	strace s9  }
0x27: {  	s1 =	sld [smem:$0x3FA7]  }
0x28: {  	s2 =	sld [smem:$0x3FA8]  }
0x29: {  	s4 =	sld [smem:$0x3FAA]  }
0x2a: {  	p0 =	seq.s32 s5, $0x0;
	s5 =	sld [smem:$0x3FAB]  }
0x2b: {  	s6 =	sld [smem:$0x3FAC]  }
0x2c: {  	s7 =	sld [smem:$0x3FAD]  }
0x2d: {  	s3 =	simm.s32 $0x108;
	s8 =	sld [smem:$0x3FAE]  }
0x2e: {  	s3 =	simm.s32 @!p0 $0x1082;
	s9 =	sld [smem:$0x3FAF]  }
0x2f: {  	lr =	sadd.s32 s0, s3;
	s0 =	sld [smem:$0x3FA6]  }
0x30: {  	s3 =	sld [smem:$0x3FA9]  }
0x31: {  	[smem:$0x3FB2] =	sst s10  }
0x32: {  	s10 =	sld [smem:$0x3FB0];
	_ =	sdelay $0x3  }
0x33: {  	p0 =	seq.s32 s10, $0x1;
	s10 =	sld [smem:$0x3FB2];
	_ =	sdelay $0x3  }
0x34: {  	[smem:$0x3FB2] =	sst s10  }
0x35: {  	s10 =	sld [smem:$0x3FB1];
	_ =	sdelay $0x3  }
0x36: {  	p1 =	seq.s32 s10, $0x1;
	s10 =	sld [smem:$0x3FB2];
	_ =	sdelay $0x3  }
0x37: {  	[smem:$0x3FB2] =	sst s10  }
0x38: {  	s10 =	sld [smem:$0x3FB3]  }
0x39: {  	_ = 	snop;
	(pc) =	sbr.ind lr, $3  }
0x3a: {  	_ = 	snop  }
0x3b: {  	_ = 	snop  }
0x3c: {  	p2 =	seq.s32 s10, $0x1;
	s10 =	sld [smem:$0x3FB2]  }
0x3d: {  	_ =	shalt  }
0x3e: {  	_ =	shalt  }
0x3f: {  	_ =	shalt  }
0x40: {  	_ =	shalt  }
0x41: {  	_ =	shalt  }
0x42: {  	_ =	shalt  }
0x43: {  	_ =	shalt  }
0x44: {  	_ =	shalt  }
0x45: {  	_ =	shalt  }
0x46: {  	_ =	shalt  }
0x47: {  	_ =	shalt  }
0x48: {  	_ =	shalt  }
0x49: {  	_ =	shalt  }
0x4a: {  	_ =	shalt  }
0x4b: {  	_ =	shalt  }
0x4c: {  	_ =	shalt  }
0x4d: {  	_ =	shalt  }
0x4e: {  	_ =	shalt  }
0x4f: {  	_ =	shalt  }
0x50: {  	_ =	shalt  }
0x51: {  	_ =	shalt  }
0x52: {  	_ =	shalt  }
0x53: {  	_ =	shalt  }
0x54: {  	_ =	shalt  }
0x55: {  	_ =	shalt  }
0x56: {  	_ =	shalt  }
0x57: {  	_ =	shalt  }
0x58: {  	_ =	shalt  }
0x59: {  	_ =	shalt  }
0x5a: {  	_ =	shalt  }
0x5b: {  	_ =	shalt  }
0x5c: {  	_ =	shalt  }
0x5d: {  	_ =	shalt  }
0x5e: {  	_ =	shalt  }
0x5f: {  	_ =	shalt  }
0x60: {  	_ =	shalt  }
0x61: {  	_ =	shalt  }
0x62: {  	_ =	shalt  }
0x63: {  	_ =	shalt  }
0x64: {  	_ =	shalt  }
0x65: {  	_ =	shalt  }
0x66: {  	_ =	shalt  }
0x67: {  	_ =	shalt  }
0x68: {  	_ =	shalt  }
0x69: {  	_ =	shalt  }
0x6a: {  	_ =	shalt  }
0x6b: {  	_ =	shalt  }
0x6c: {  	_ =	shalt  }
0x6d: {  	_ =	shalt  }
0x6e: {  	_ =	shalt  }
0x6f: {  	_ =	shalt  }
0x70: {  	_ =	shalt  }
0x71: {  	_ =	shalt  }
0x72: {  	_ =	shalt  }
0x73: {  	_ =	shalt  }
0x74: {  	_ =	shalt  }
0x75: {  	_ =	shalt  }
0x76: {  	_ =	shalt  }
0x77: {  	_ =	shalt  }
0x78: {  	_ =	shalt  }
0x79: {  	_ =	shalt  }
0x7a: {  	_ =	shalt  }
0x7b: {  	_ =	shalt  }
0x7c: {  	_ =	shalt  }
0x7d: {  	_ =	shalt  }
0x7e: {  	_ =	shalt  }
0x7f: {  	_ =	shalt  }
0x80: {  	_ =	shalt  }
0x81: {  	_ =	shalt  }
0x82: {  	_ =	shalt  }
0x83: {  	_ =	shalt  }
0x84: {  	_ =	shalt  }
0x85: {  	_ =	shalt  }
0x86: {  	_ =	shalt  }
0x87: {  	_ =	shalt  }
.Lfunc_end0:
.L_simem_size_0:
called_computation_lowered:
.L_overlay_start_0:
0x88: {  	s2 =	sld [smem:$0x3FD9]  }
0x89: {  	s3 =	sld [smem:$0x3FFE];
	_ =	sdelay $0x1  }
0x8a: {  	s1 =	srdreg.scid  }
0x8b: {  	s0 =	sand.u32 $0x1, s1  }
0x8c: {  	s17 =	sshll.u32 s0, $0xA;
	s2 =	sadd.s32 s3, s2  }
0x8d: {  	s2 =	sadd.s32 s2, s17  }
0x8e: {  	[smem:$0x3FBE] =	sst s2  }
0x8f: {  	_ = 	snop  }
0x90: {  	s2 =	sld [smem:$0x3FC9];
	(tm) =	ssettm $0x1  }
0x91: {  	s18 =	sld [smem:$0x3FFB];
	_ =	sdelay $0x3  }
0x92: {  	_ =	strace s18  }
0x93: {  	s3 =	sld [smem:$0x3FFC];
	_ =	sdelay $0x3  }
0x94: {  	_ =	strace s3  }
0x95: {  	s3 =	sld [smem:$0x3FFD];
	_ =	sdelay $0x3  }
0x96: {  	_ =	strace s3  }
0x97: {  	_ =	strace $0x8FFFFFFF  }
0x98: {  	s19 =	sld [smem:$0x3FDB];
	_ =	sdelay $0x1  }
0x99: {  	s4 =	simm.s32 $_scs_section_size  }
0x9a: {  	s5 =	simm.s32 $_size__tile_overlayer_lowered;
	s6 =	simm.s32 $_tile_overlayer_lowered  }
0x9b: {  	s22 =	simm.s32 $0x1BFF;
	s21 =	sshll.u32 s6, $0x1;
	s3 =	sadd.s32 s4, s19  }
0x9c: {  	s7 =	simm.s32 $0x0;
	s20 =	sshll.u32 s5, $0x1;
	s5 =	sadd.s32 s21, s3  }
0x9d: {  	[timem:s7], [sflag:s22] =	dma.local [hbm:s5], s20  }
0x9e: {  	_ =	swait.ge [sflag:s22], s20  }
0x9f: {  	s4 =	ssub.s32 $0x0, s20;
	[sflag:s22] =	ssyncset.done $0x0  }
0xa0: {  	[sflag:s22] =	ssyncadd.s32 s4;
	_ =	sdelay $0x1  }
0xa1: {  	s23 =	simm.s32 $0x1B8B  }
0xa2: {  	_ =	swait.ge [sflag:s23], $0x1  }
0xa3: {  	[sflag:s23] =	ssyncset.done $0x0  }
0xa4: {  	s25 =	simm.s32 $0x1B8E;
	s24 =	sld [smem:$0x3FFE];
	[sflag:s23] =	ssyncadd.s32 $0xFFFFFFFF  }
0xa5: {  	s26 =	simm.s32 $execute0_lowered;
	[smem:$0x3FD2] =	sst s25  }
0xa6: {  	s5 =	sshll.u32 s26, $0x1;
	_ =	strace $0x80000046;
	[dreg:$0x1] =	wrdreg $0xFFFFFFFF  }
0xa7: {  	s28 =	simm.s32 $_size_execute0_lowered;
	s3 =	sadd.s32 s3, s5;
	[dreg:$0x0] =	wrdreg $0x0  }
0xa8: {  	s5 =	sshll.u32 s28, $0x1;
	[dreg:$0x2] =	wrdreg s3  }
0xa9: {  	[dreg:$0x3] =	wrdreg s5  }
0xaa: {  	[dreg:$0x4] =	wrdreg $0xC0  }
0xab: {  	_ =	task [dreg:s7], $0x5FFFF  }
0xac: {  	[dreg:$0x1] =	wrdreg $0xFFFFFFFF  }
0xad: {  	[dreg:$0x0] =	wrdreg $0x60  }
0xae: {  	[dreg:$0x2] =	wrdreg s2  }
0xaf: {  	[dreg:$0x3] =	wrdreg s24  }
0xb0: {  	[dreg:$0x4] =	wrdreg $0xAC000  }
0xb1: {  	[dreg:$0x5] =	wrdreg $0x9  }
0xb2: {  	_ =	task.clear_ibuf [dreg:s7], $0x6FFFF;
	_ =	strace $0x90000046  }
0xb3: {  	s29 =	simm.s32 $0x9;
	_ =	strace $0x80000048  }
0xb4: {  	_ =	swait.ge [sflag:s29], $0x1  }
0xb5: {  	[sflag:s29] =	ssyncadd.s32 $0xFFFFFFFF  }
0xb6: {  	_ =	strace $0x90000048  }
0xb7: {  	_ =	sfence  }
0xb8: {  	s30 =	sld [smem:$0x0];
	_ =	sdelay $0x2  }
0xb9: {  	s31 =	sshll.u32 s1, $0xD;
	s1 =	sshrl.u32 s1, $0x2  }
0xba: {  	s3 =	sand.u32 $0x4000, s31;
	s1 =	sadd.s32 s1, s30  }
0xbb: {  	s0 =	sor.u32 s3, s0;
	s1 =	sshll.u32 s1, $0x11  }
0xbc: {  	s0 =	sor.u32 s1, s0  }
0xbd: {  	s0 =	sadd.s32 $0x8F2B, s0  }
0xbe: {  	[sflag:s0] =	ssyncadd.remote.s32 $0x1  }
0xbf: {  	_ =	sfence.sel $0xFFFF  }
0xc0: {  	[dreg:$0x0] =	wrdreg $0xFFFFFFFF;
	(pc) =	sbr.abs _section_cstart, $3  }
0xc1: {  	[dreg:$0x1] =	wrdreg $0xFFFFFFFF  }
0xc2: {  	_ =	task.clear_ibuf [dreg:s7], $0x2FFFF;
	_ =	strace $0x9FFFFFFF  }
0xc3: {  	(tm) =	ssettm $0x7FFFFFFF  }
tec
execute0_lowered:
.L_overlay_start_1:
0x0: {  	(tag) =	ssettag $0x1  }
0x1: {  	s1 =	rddreg [dreg:$0x0]  }
0x2: {  	s0 =	rddreg [dreg:$0x1]  }
0x3: {  	s2 =	rddreg [dreg:$0x2];
	s3 =	srdreg.scid;
	s4 =	simm.s32 $0x0  }
0x4: {  	s7 =	simm.s32 $0x6C;
	s15 =	simm.s32 $0x8400;
	s16 =	simm.s32 $0x200  }
0x5: {  	s17 =	simm.s32 $0x80;
	s18 =	simm.s32 $0x400;
	s19 =	simm.s32 $0x4400  }
0x6: {  	s20 =	simm.s32 $0x1;
	s21 =	simm.s32 $0x2;
	s22 =	simm.s32 $0x280  }
0x7: {  	s23 =	simm.s32 $0x100;
	s28 =	simm.s32 $0x380;
	s29 =	simm.s32 $0x0  }
0x8: {  	s8 =	sand.u32 $0x1, s3;
	s3 =	stileid.u32;
	[smem:$0x7FF] =	sst s4  }
0x9: {  	p0 =	seq.s32 s8, $0x0;
	s5 =	sshll.u32 s8, $0x4;
	s12 =	smul.u32 $0x28000, s8  }
0xa: {  	_ =	strace $0x80000047;
	s10 =	sshll.u32 s3, $0x7;
	s13 =	smul.u32 $0x50000, s3  }
0xb: {  	s24 =	ssub.s32 $0x2, s8;
	s30 =	sshll.u32 s3, $0x6;
	s14 =	smul.u32 $0x6C00, s8  }
0xc: {  	s7 =	simm.s32 @!p0 $0x34;
	s5 =	sor.u32 s3, s5;
	s10 =	sand.u32 $0x380, s10  }
0xd: {  	s25 =	sshrl.u32 s24, $0x1;
	s8 =	sor.u32 $0x1C03, s30;
	s6 =	smul.u32 s3, s7  }
0xe: {  	s5 =	sshrl.u32 s5, $0x3;
	s12 =	sadd.s32 s12, s0;
	s7 =	sshrl.u32 s7, $0x2  }
0xf: {  	s26 =	sshrl.u32 s13, $0x2;
	s9 =	smul.u32 $0x14000, s5;
	s5 =	sadd.s32 $0x15A00, s0  }
0x10: {  	s13 =	sadd.s32 s26, s2;
	s26 =	simm.s32 $0x300;
	s6 =	sshll.u32 s6, $0x4  }
0x11: {  	s13 =	sshrl.u32 s13, $0x3;
	s11 =	sadd.s32 s6, s0;
	s6 =	sadd.s32 $0x18200, s0  }
.Ltmp0:
0x12: {  	s9 =	sor.u32 s10, s9;
	s10 =	ssub.s32 s24, s25;
	(pc) =	sbr.rel .LBB2_1-.Ltmp0, $4  }
0x13: {  	s24 =	sadd.s32 $0x22800, s12;
	s25 =	smul.u32 $0x2800, s3;
	s9 =	sshrl.u32 s9, $0x3  }
0x14: {  	s10 =	smax.u32 s10, $0x1;
	s31 =	sadd.s32 s14, s11;
	s14 =	simm.s32 $0x3  }
0x15: {  	s0 =	sadd.s32 s9, s0;
	s11 =	sadd.s32 $0xBA00, s31;
	s12 =	sadd.s32 $0x1A00, s31  }
0x16: {  	v0 =	vimm.f32 $1.000000000e+00;
	s24 =	sadd.s32 s25, s24;
	s25 =	simm.s32 $0x180;
	s9 =	sadd.s32 $0x18800, s0  }
.LBB2_5:
0x17: {  	[bflag:$0x0] =	sbarrier.arrive $0xFFFF  }
0x18: {  	[hbm:s24], [sflag:s8] =	dma.local [spmem:s13], $0x2800  }
0x19: {  	s29 =	sadd.s32 $0x1, s29;
	_ =	swait.ge [sflag:s14], $0x2800  }
0x1a: {  	p0 =	sne.s32 s29, s10;
	[sflag:s14] =	ssyncset.done $0x0  }
.Ltmp1:
0x1b: {  	[sflag:s14] =	ssyncadd.s32 $0xFFFFD800;
	(pc) =	sbr.rel @!p0 .LBB2_6-.Ltmp1, $4  }
0x1c: {  	[hbm4b:s9+s17] =	stream.strided.scatter [tilespmem:s15], [sflag:$0x3], $0x2800, s18, s17, $0x38;
	[tilespmem:$0x1EC00] =	vst v63  }
0x1d: {  	_ =	swait.ge [sflag:s14], $0x2800  }
0x1e: {  	[sflag:s14] =	ssyncset.done $0x0  }
0x1f: {  	[sflag:s14] =	ssyncadd.s32 $0xFFFFD800  }
.LBB2_1:
0x20: {  	[spmem:s13], [sflag:s8] =	dma.local [hbm:s5], $0x2800  }
0x21: {  	_ =	swait.ge [sflag:s14], $0x2800  }
0x22: {  	[sflag:s14] =	ssyncset.done $0x0  }
0x23: {  	[sflag:s14] =	ssyncadd.s32 $0xFFFFD800  }
0x24: {  	[tilespmem:s15], [sflag:$0x3] =	stream.linear.gather [hbm4b:s6+s4], $0x2800, $0x38;
	[tilespmem:$0x1EC00] =	vst v63  }
.Ltmp2:
0x25: {  	_ =	swait.ge [sflag:s14], $0x2800;
	(pc) =	sbr.rel .LBB2_2-.Ltmp2, $4  }
0x26: {  	[sflag:s14] =	ssyncset.done $0x0  }
0x27: {  	[sflag:s14] =	ssyncadd.s32 $0xFFFFD800  }
0x28: {  	[bflag:$0x0] =	sbarrier.arrive $0xFFFF  }
0x29: {  	s30 =	smov.u32 s12;
	s31 =	smov.u32 s11;
	s0 =	simm.s32 $0x0  }
.LBB2_4:
0x2a: {  	s0 =	sadd.s32 $0x1, s0  }
0x2b: {  	p0 =	sne.s32 s0, $0x1B  }
.Ltmp3:
0x2c: {  	_ = 	snop;
	(pc) =	sbr.rel @!p0 .LBB2_5-.Ltmp3, $2  }
0x2d: {  	_ =	sdelay $0x2  }
0x2e: {  	s31 =	sadd.s32 $0x40, s31;
	s30 =	sadd.s32 $0x40, s30  }
.LBB2_2:
0x2f: {  	p0 =	sge.u32 s0, s7  }
.Ltmp4:
0x30: {  	_ = 	snop;
	(pc) =	sbr.rel @p0 .LBB2_4-.Ltmp4, $1  }
0x31: {  	_ =	sdelay $0x3  }
0x32: {  	[tilespmem:s4], [sflag:$0x3] =	stream.linear.gather [hbm4b:s31+s4], $0x200, $0x38;
	[tilespmem:$0x1EC00] =	vst v63  }
0x33: {  	_ =	swait.ge [sflag:s14], $0x200  }
0x34: {  	[sflag:s14] =	ssyncset.done $0x0  }
0x35: {  	[sflag:s14] =	ssyncadd.s32 $0xFFFFFE00  }
0x36: {  	[tilespmem:s16], [sflag:$0x3] =	stream.linear.gather [hbm4b:s30+s4], $0x200, $0x38;
	[tilespmem:$0x1EC00] =	vst v63  }
0x37: {  	_ =	swait.ge [sflag:s14], $0x200  }
0x38: {  	[sflag:s14] =	ssyncset.done $0x0  }
0x39: {  	[sflag:s14] =	ssyncadd.s32 $0xFFFFFE00  }
0x3a: {  	[tilespmem:s18], [sflag:$0x1] =	stream.indirect.gather [hbm4b:s1+s17], $0x80, s4, s17, $0xb8;
	[tilespmem:$0x1EC00] =	vst v63  }
0x3b: {  	_ = 	snop  }
0x3c: {  	[tilespmem:s19], [sflag:$0x2] =	stream.indirect.gather [hbm4b:s1+s17], $0x80, s17, s17, $0xb8;
	[tilespmem:$0x1EC00] =	vst v63  }
0x3d: {  	v1 =	vld [tilespmem:$0x200];
	_ =	sdelay $0x7  }
0x3e: {  	[tilespmem:v1+s15+$0x0] =	vst.idx.add.f32.msk $0xffff, v0  }
0x3f: {  	v1 =	vld [tilespmem:$0x210];
	_ =	sdelay $0x7  }
0x40: {  	[tilespmem:v1+s15+$0x0] =	vst.idx.add.f32.msk $0xffff, v0  }
0x41: {  	v1 =	vld [tilespmem:$0x220];
	_ =	sdelay $0x7  }
0x42: {  	[tilespmem:v1+s15+$0x0] =	vst.idx.add.f32.msk $0xffff, v0  }
0x43: {  	v1 =	vld [tilespmem:$0x230];
	_ =	sdelay $0x7  }
0x44: {  	[tilespmem:v1+s15+$0x0] =	vst.idx.add.f32.msk $0xffff, v0  }
0x45: {  	v1 =	vld [tilespmem:$0x240];
	_ =	sdelay $0x7  }
0x46: {  	[tilespmem:v1+s15+$0x0] =	vst.idx.add.f32.msk $0xffff, v0  }
0x47: {  	v1 =	vld [tilespmem:$0x250];
	_ =	sdelay $0x7  }
0x48: {  	[tilespmem:v1+s15+$0x0] =	vst.idx.add.f32.msk $0xffff, v0  }
0x49: {  	v1 =	vld [tilespmem:$0x260];
	_ =	sdelay $0x7  }
0x4a: {  	[tilespmem:v1+s15+$0x0] =	vst.idx.add.f32.msk $0xffff, v0  }
0x4b: {  	v1 =	vld [tilespmem:$0x270];
	_ =	sdelay $0x7  }
0x4c: {  	[tilespmem:v1+s15+$0x0] =	vst.idx.add.f32.msk $0xffff, v0  }
0x4d: {  	_ =	swait.ge [sflag:s20], $0x4000  }
0x4e: {  	[sflag:s20] =	ssyncset.done $0x0  }
0x4f: {  	[sflag:s20] =	ssyncadd.s32 $0xFFFFC000  }
0x50: {  	[spmem:s2] =	stream.indirect.scatter.add.f32 [tilespmem:s18], [sflag:$0x3], $0x80, s16, s17, $0xb8;
	[tilespmem:$0x1EC00] =	vst v63  }
0x51: {  	_ =	swait.ge [sflag:s14], $0x4000  }
0x52: {  	[sflag:s14] =	ssyncset.done $0x0  }
0x53: {  	[sflag:s14] =	ssyncadd.s32 $0xFFFFC000  }
0x54: {  	v1 =	vld [tilespmem:$0x280];
	_ =	sdelay $0x7  }
0x55: {  	[tilespmem:v1+s15+$0x0] =	vst.idx.add.f32.msk $0xffff, v0  }
0x56: {  	v1 =	vld [tilespmem:$0x290];
	_ =	sdelay $0x7  }
0x57: {  	[tilespmem:v1+s15+$0x0] =	vst.idx.add.f32.msk $0xffff, v0  }
0x58: {  	v1 =	vld [tilespmem:$0x2A0];
	_ =	sdelay $0x7  }
0x59: {  	[tilespmem:v1+s15+$0x0] =	vst.idx.add.f32.msk $0xffff, v0  }
0x5a: {  	v1 =	vld [tilespmem:$0x2B0];
	_ =	sdelay $0x7  }
0x5b: {  	[tilespmem:v1+s15+$0x0] =	vst.idx.add.f32.msk $0xffff, v0  }
0x5c: {  	v1 =	vld [tilespmem:$0x2C0];
	_ =	sdelay $0x7  }
0x5d: {  	[tilespmem:v1+s15+$0x0] =	vst.idx.add.f32.msk $0xffff, v0  }
0x5e: {  	v1 =	vld [tilespmem:$0x2D0];
	_ =	sdelay $0x7  }
0x5f: {  	[tilespmem:v1+s15+$0x0] =	vst.idx.add.f32.msk $0xffff, v0  }
0x60: {  	v1 =	vld [tilespmem:$0x2E0];
	_ =	sdelay $0x7  }
0x61: {  	[tilespmem:v1+s15+$0x0] =	vst.idx.add.f32.msk $0xffff, v0  }
0x62: {  	v1 =	vld [tilespmem:$0x2F0];
	_ =	sdelay $0x7  }
0x63: {  	[tilespmem:v1+s15+$0x0] =	vst.idx.add.f32.msk $0xffff, v0  }
0x64: {  	_ =	swait.ge [sflag:s21], $0x4000  }
0x65: {  	[sflag:s21] =	ssyncset.done $0x0  }
0x66: {  	[sflag:s21] =	ssyncadd.s32 $0xFFFFC000  }
0x67: {  	[spmem:s2] =	stream.indirect.scatter.add.f32 [tilespmem:s19], [sflag:$0x3], $0x80, s22, s17, $0xb8;
	[tilespmem:$0x1EC00] =	vst v63  }
0x68: {  	_ =	swait.ge [sflag:s14], $0x4000  }
0x69: {  	[sflag:s14] =	ssyncset.done $0x0  }
0x6a: {  	[sflag:s14] =	ssyncadd.s32 $0xFFFFC000  }
0x6b: {  	[tilespmem:s18], [sflag:$0x1] =	stream.indirect.gather [hbm4b:s1+s17], $0x80, s23, s17, $0xb8;
	[tilespmem:$0x1EC00] =	vst v63  }
0x6c: {  	_ = 	snop  }
0x6d: {  	[tilespmem:s19], [sflag:$0x2] =	stream.indirect.gather [hbm4b:s1+s17], $0x80, s25, s17, $0xb8;
	[tilespmem:$0x1EC00] =	vst v63  }
0x6e: {  	v1 =	vld [tilespmem:$0x300];
	_ =	sdelay $0x7  }
0x6f: {  	[tilespmem:v1+s15+$0x0] =	vst.idx.add.f32.msk $0xffff, v0  }
0x70: {  	v1 =	vld [tilespmem:$0x310];
	_ =	sdelay $0x7  }
0x71: {  	[tilespmem:v1+s15+$0x0] =	vst.idx.add.f32.msk $0xffff, v0  }
0x72: {  	v1 =	vld [tilespmem:$0x320];
	_ =	sdelay $0x7  }
0x73: {  	[tilespmem:v1+s15+$0x0] =	vst.idx.add.f32.msk $0xffff, v0  }
0x74: {  	v1 =	vld [tilespmem:$0x330];
	_ =	sdelay $0x7  }
0x75: {  	[tilespmem:v1+s15+$0x0] =	vst.idx.add.f32.msk $0xffff, v0  }
0x76: {  	v1 =	vld [tilespmem:$0x340];
	_ =	sdelay $0x7  }
0x77: {  	[tilespmem:v1+s15+$0x0] =	vst.idx.add.f32.msk $0xffff, v0  }
0x78: {  	v1 =	vld [tilespmem:$0x350];
	_ =	sdelay $0x7  }
0x79: {  	[tilespmem:v1+s15+$0x0] =	vst.idx.add.f32.msk $0xffff, v0  }
0x7a: {  	v1 =	vld [tilespmem:$0x360];
	_ =	sdelay $0x7  }
0x7b: {  	[tilespmem:v1+s15+$0x0] =	vst.idx.add.f32.msk $0xffff, v0  }
0x7c: {  	v1 =	vld [tilespmem:$0x370];
	_ =	sdelay $0x7  }
0x7d: {  	[tilespmem:v1+s15+$0x0] =	vst.idx.add.f32.msk $0xffff, v0  }
0x7e: {  	_ =	swait.ge [sflag:s20], $0x4000  }
0x7f: {  	[sflag:s20] =	ssyncset.done $0x0  }
0x80: {  	[sflag:s20] =	ssyncadd.s32 $0xFFFFC000  }
0x81: {  	[spmem:s2] =	stream.indirect.scatter.add.f32 [tilespmem:s18], [sflag:$0x3], $0x80, s26, s17, $0xb8;
	[tilespmem:$0x1EC00] =	vst v63  }
0x82: {  	_ =	swait.ge [sflag:s14], $0x4000  }
0x83: {  	[sflag:s14] =	ssyncset.done $0x0  }
0x84: {  	[sflag:s14] =	ssyncadd.s32 $0xFFFFC000  }
0x85: {  	v1 =	vld [tilespmem:$0x380];
	_ =	sdelay $0x7  }
0x86: {  	[tilespmem:v1+s15+$0x0] =	vst.idx.add.f32.msk $0xffff, v0  }
0x87: {  	v1 =	vld [tilespmem:$0x390];
	_ =	sdelay $0x7  }
0x88: {  	[tilespmem:v1+s15+$0x0] =	vst.idx.add.f32.msk $0xffff, v0  }
0x89: {  	v1 =	vld [tilespmem:$0x3A0];
	_ =	sdelay $0x7  }
0x8a: {  	[tilespmem:v1+s15+$0x0] =	vst.idx.add.f32.msk $0xffff, v0  }
0x8b: {  	v1 =	vld [tilespmem:$0x3B0];
	_ =	sdelay $0x7  }
0x8c: {  	[tilespmem:v1+s15+$0x0] =	vst.idx.add.f32.msk $0xffff, v0  }
0x8d: {  	v1 =	vld [tilespmem:$0x3C0];
	_ =	sdelay $0x7  }
0x8e: {  	[tilespmem:v1+s15+$0x0] =	vst.idx.add.f32.msk $0xffff, v0  }
0x8f: {  	v1 =	vld [tilespmem:$0x3D0];
	_ =	sdelay $0x7  }
0x90: {  	[tilespmem:v1+s15+$0x0] =	vst.idx.add.f32.msk $0xffff, v0  }
0x91: {  	v1 =	vld [tilespmem:$0x3E0];
	_ =	sdelay $0x7  }
0x92: {  	[tilespmem:v1+s15+$0x0] =	vst.idx.add.f32.msk $0xffff, v0  }
0x93: {  	v1 =	vld [tilespmem:$0x3F0];
	_ =	sdelay $0x7  }
0x94: {  	[tilespmem:v1+s15+$0x0] =	vst.idx.add.f32.msk $0xffff, v0  }
0x95: {  	_ =	swait.ge [sflag:s21], $0x4000  }
0x96: {  	[sflag:s21] =	ssyncset.done $0x0  }
.Ltmp5:
0x97: {  	[sflag:s21] =	ssyncadd.s32 $0xFFFFC000;
	(pc) =	sbr.rel .LBB2_4-.Ltmp5, $4  }
0x98: {  	[spmem:s2] =	stream.indirect.scatter.add.f32 [tilespmem:s19], [sflag:$0x3], $0x80, s28, s17, $0xb8;
	[tilespmem:$0x1EC00] =	vst v63  }
0x99: {  	_ =	swait.ge [sflag:s14], $0x4000  }
0x9a: {  	[sflag:s14] =	ssyncset.done $0x0  }
0x9b: {  	[sflag:s14] =	ssyncadd.s32 $0xFFFFC000  }
.LBB2_6:
0x9c: {  	_ =	sfence.sel $0x180000  }
0x9d: {  	[bflag:$0x0] =	sbarrier.arrive $0xFFFF  }
0x9e: {  	_ =	strace $0x90000047  }
0x9f: {  	[bflag:$0x2] =	sbarrier.arrive $0xFFFF  }
0xa0: {  	p0 =	sne.s32 s3, $0x0;
	s0 =	rddreg [dreg:$0x3]  }
0xa1: {  	s0 =	sadd.s32 @!p0 $0x100000, s0  }
0xa2: {  	[sflag:s0] =	ssyncadd.tile.s32 @!p0 $0x1;
	_ =	shalt  }
.Lfunc_end2:
_tile_overlayer_lowered:
.L_overlay_start_2:
0xa3: {  	(tag) =	ssettag $0x2  }
0xa4: {  	s0 =	rddreg [dreg:$0x0];
	s2 =	stileid.u32  }
0xa5: {  	s1 =	rddreg [dreg:$0x1];
	p0 =	sne.s32 s2, $0x0  }
0xa6: {  	s3 =	rddreg [dreg:$0x2];
	[bflag:$0x3] =	sbarrier.arrive $0xFFFF;
	s2 =	simm.s32 @!p0 $0x1C03  }
0xa7: {  	[timem:s3], [sflag:s2] =	dma.local @!p0 [hbm:s0], s1  }
0xa8: {  	s0 =	simm.s32 @!p0 $0x3  }
0xa9: {  	_ =	swait.ge @!p0 [sflag:s0], s1  }
0xaa: {  	s1 =	ssub.s32 @!p0 $0x0, s1;
	[sflag:s0] =	ssyncset.done @!p0 $0x0  }
0xab: {  	[sflag:s0] =	ssyncadd.s32 @!p0 s1  }
0xac: {  	[bflag:$0x3] =	sbarrier.arrive $0xFFFF  }
0xad: {  	_ =	shalt  }

// kernel: kernel.9.cloned.1.call-start
scs
__scs_entry_jumppad:
0x0: {  	(pc) =	sbr.rel $0x88, $3  }
0x1: {  	(tag) =	ssettag $0x0;
	lr =	simm.s32 $0x1  }
0x2: {  	[smem:$0x3F97] =	sst lr;
	_ =	strace $0xD0000000  }
0x3: {  	_ = 	snop  }
0x4: {  	_ = 	snop  }
0x5: {  	_ = 	snop  }
0x6: {  	_ = 	snop  }
0x7: {  	_ = 	snop  }
__scs_overlays_trampoline_lowered:
0x8: {  	[smem:$0x3FA6] =	sst s0  }
0x9: {  	[smem:$0x3FA7] =	sst s1  }
0xa: {  	[smem:$0x3FA8] =	sst s2  }
0xb: {  	[smem:$0x3FA9] =	sst s3  }
0xc: {  	[smem:$0x3FAA] =	sst s4  }
0xd: {  	[smem:$0x3FAB] =	sst s5  }
0xe: {  	[smem:$0x3FAC] =	sst s6  }
0xf: {  	[smem:$0x3FAD] =	sst s7  }
0x10: {  	[smem:$0x3FAE] =	sst s8  }
0x11: {  	[smem:$0x3FAF] =	sst s9;
	s0 =	simm.s32 @!p0 $0x0  }
0x12: {  	s1 =	sld [smem:$0x3F95];
	s0 =	simm.s32 @p0 $0x1  }
0x13: {  	[smem:$0x3FB0] =	sst s0;
	s0 =	simm.s32 @!p1 $0x0  }
0x14: {  	s2 =	sld [smem:$0x3F94];
	s0 =	simm.s32 @p1 $0x1  }
0x15: {  	[smem:$0x3FB1] =	sst s0;
	s0 =	simm.s32 @!p2 $0x0  }
0x16: {  	s3 =	sld [smem:$0x3FDB];
	s0 =	simm.s32 @p2 $0x1  }
0x17: {  	s4 =	simm.s32 $0x1BF5;
	[smem:$0x3FB3] =	sst s0  }
0x18: {  	s0 =	sld [smem:$0x3F96];
	_ =	swait.ge [sflag:s4], $0x0  }
0x19: {  	s7 =	sld [smem:$0x3F97]  }
0x1a: {  	s8 =	sadd.s32 $0xFFFFE003, lr  }
0x1b: {  	s9 =	sadd.s32 $0xFFFFFEF7, lr;
	s5 =	simm.s32 $0xFFFFFFFF;
	p2 =	slt.u32 s8, $0xFFFFF086  }
0x1c: {  	p1 =	slt.u32 s9, $0xF7A;
	s5 =	simm.s32 @!p2 $0x0  }
0x1d: {  	s5 =	simm.s32 @p1 $0x1;
	p0 =	seq.s32 s7, s2  }
0x1e: {  	s7 =	smul.u32 @!p0 $0xF7A, s2;
	p2 =	seq.s32 @!p0 s5, $0x0  }
0x1f: {  	s9 =	smul.u32 $0xF7A, s1;
	s8 =	simm.s32 @!p0 $0x1BF5;
	p2 =	por !p2, p0  }
0x20: {  	[sflag:s8] =	ssyncset.s32 @!p0 $0xFFFFF086;
	s6 =	sadd.s32 @!p0 s3, s7;
	s7 =	simm.s32 @!p0 $0x108  }
0x21: {  	s3 =	sadd.s32 s3, s9;
	s6 =	sadd.s32 @!p0 $0x88, s6;
	s7 =	simm.s32 @p2 $0x1082  }
0x22: {  	[simem:s7], [sflag:s8] =	dma.local @!p0 [hbm:s6], $0xF7A  }
0x23: {  	s9 =	sor.u32 $0xD0000000, s2;
	s6 =	simm.s32 $0x108;
	_ =	swait.ge @!p0 [sflag:s8], $0x0  }
0x24: {  	s3 =	sadd.s32 $0x88, s3;
	s6 =	simm.s32 @!p1 $0x1082;
	[sflag:s4] =	ssyncset.s32 $0xFFFFF086  }
0x25: {  	[simem:s6], [sflag:s4] =	dma.local [hbm:s3], $0xF7A  }
0x26: {  	[smem:$0x3F97] =	sst s1;
	(tag) =	ssettag s2;
	_ =	strace s9  }
0x27: {  	s1 =	sld [smem:$0x3FA7]  }
0x28: {  	s2 =	sld [smem:$0x3FA8]  }
0x29: {  	s4 =	sld [smem:$0x3FAA]  }
0x2a: {  	p0 =	seq.s32 s5, $0x0;
	s5 =	sld [smem:$0x3FAB]  }
0x2b: {  	s6 =	sld [smem:$0x3FAC]  }
0x2c: {  	s7 =	sld [smem:$0x3FAD]  }
0x2d: {  	s3 =	simm.s32 $0x108;
	s8 =	sld [smem:$0x3FAE]  }
0x2e: {  	s3 =	simm.s32 @!p0 $0x1082;
	s9 =	sld [smem:$0x3FAF]  }
0x2f: {  	lr =	sadd.s32 s0, s3;
	s0 =	sld [smem:$0x3FA6]  }
0x30: {  	s3 =	sld [smem:$0x3FA9]  }
0x31: {  	[smem:$0x3FB2] =	sst s10  }
0x32: {  	s10 =	sld [smem:$0x3FB0];
	_ =	sdelay $0x3  }
0x33: {  	p0 =	seq.s32 s10, $0x1;
	s10 =	sld [smem:$0x3FB2];
	_ =	sdelay $0x3  }
0x34: {  	[smem:$0x3FB2] =	sst s10  }
0x35: {  	s10 =	sld [smem:$0x3FB1];
	_ =	sdelay $0x3  }
0x36: {  	p1 =	seq.s32 s10, $0x1;
	s10 =	sld [smem:$0x3FB2];
	_ =	sdelay $0x3  }
0x37: {  	[smem:$0x3FB2] =	sst s10  }
0x38: {  	s10 =	sld [smem:$0x3FB3]  }
0x39: {  	_ = 	snop;
	(pc) =	sbr.ind lr, $3  }
0x3a: {  	_ = 	snop  }
0x3b: {  	_ = 	snop  }
0x3c: {  	p2 =	seq.s32 s10, $0x1;
	s10 =	sld [smem:$0x3FB2]  }
0x3d: {  	_ =	shalt  }
0x3e: {  	_ =	shalt  }
0x3f: {  	_ =	shalt  }
0x40: {  	_ =	shalt  }
0x41: {  	_ =	shalt  }
0x42: {  	_ =	shalt  }
0x43: {  	_ =	shalt  }
0x44: {  	_ =	shalt  }
0x45: {  	_ =	shalt  }
0x46: {  	_ =	shalt  }
0x47: {  	_ =	shalt  }
0x48: {  	_ =	shalt  }
0x49: {  	_ =	shalt  }
0x4a: {  	_ =	shalt  }
0x4b: {  	_ =	shalt  }
0x4c: {  	_ =	shalt  }
0x4d: {  	_ =	shalt  }
0x4e: {  	_ =	shalt  }
0x4f: {  	_ =	shalt  }
0x50: {  	_ =	shalt  }
0x51: {  	_ =	shalt  }
0x52: {  	_ =	shalt  }
0x53: {  	_ =	shalt  }
0x54: {  	_ =	shalt  }
0x55: {  	_ =	shalt  }
0x56: {  	_ =	shalt  }
0x57: {  	_ =	shalt  }
0x58: {  	_ =	shalt  }
0x59: {  	_ =	shalt  }
0x5a: {  	_ =	shalt  }
0x5b: {  	_ =	shalt  }
0x5c: {  	_ =	shalt  }
0x5d: {  	_ =	shalt  }
0x5e: {  	_ =	shalt  }
0x5f: {  	_ =	shalt  }
0x60: {  	_ =	shalt  }
0x61: {  	_ =	shalt  }
0x62: {  	_ =	shalt  }
0x63: {  	_ =	shalt  }
0x64: {  	_ =	shalt  }
0x65: {  	_ =	shalt  }
0x66: {  	_ =	shalt  }
0x67: {  	_ =	shalt  }
0x68: {  	_ =	shalt  }
0x69: {  	_ =	shalt  }
0x6a: {  	_ =	shalt  }
0x6b: {  	_ =	shalt  }
0x6c: {  	_ =	shalt  }
0x6d: {  	_ =	shalt  }
0x6e: {  	_ =	shalt  }
0x6f: {  	_ =	shalt  }
0x70: {  	_ =	shalt  }
0x71: {  	_ =	shalt  }
0x72: {  	_ =	shalt  }
0x73: {  	_ =	shalt  }
0x74: {  	_ =	shalt  }
0x75: {  	_ =	shalt  }
0x76: {  	_ =	shalt  }
0x77: {  	_ =	shalt  }
0x78: {  	_ =	shalt  }
0x79: {  	_ =	shalt  }
0x7a: {  	_ =	shalt  }
0x7b: {  	_ =	shalt  }
0x7c: {  	_ =	shalt  }
0x7d: {  	_ =	shalt  }
0x7e: {  	_ =	shalt  }
0x7f: {  	_ =	shalt  }
0x80: {  	_ =	shalt  }
0x81: {  	_ =	shalt  }
0x82: {  	_ =	shalt  }
0x83: {  	_ =	shalt  }
0x84: {  	_ =	shalt  }
0x85: {  	_ =	shalt  }
0x86: {  	_ =	shalt  }
0x87: {  	_ =	shalt  }
.Lfunc_end0:
.L_simem_size_0:
called_computation.1_lowered:
.L_overlay_start_0:
0x88: {  	s2 =	sld [smem:$0x3FD9]  }
0x89: {  	s3 =	sld [smem:$0x3FFE];
	_ =	sdelay $0x1  }
0x8a: {  	s1 =	srdreg.scid  }
0x8b: {  	s0 =	sand.u32 $0x1, s1  }
0x8c: {  	s16 =	sshll.u32 s0, $0xA;
	s2 =	sadd.s32 s3, s2  }
0x8d: {  	s2 =	sadd.s32 s2, s16  }
0x8e: {  	[smem:$0x3FBE] =	sst s2  }
0x8f: {  	_ = 	snop  }
0x90: {  	(tm) =	ssettm $0x1  }
0x91: {  	s17 =	sld [smem:$0x3FFB];
	_ =	sdelay $0x3  }
0x92: {  	_ =	strace s17  }
0x93: {  	s2 =	sld [smem:$0x3FFC];
	_ =	sdelay $0x3  }
0x94: {  	_ =	strace s2  }
0x95: {  	s2 =	sld [smem:$0x3FFD];
	_ =	sdelay $0x3  }
0x96: {  	_ =	strace s2  }
0x97: {  	_ =	strace $0x8FFFFFFF  }
0x98: {  	s18 =	sld [smem:$0x3FDB];
	_ =	sdelay $0x1  }
0x99: {  	s19 =	simm.s32 $_scs_section_size  }
0x9a: {  	s4 =	simm.s32 $_size__tile_overlayer_lowered;
	s5 =	simm.s32 $_tile_overlayer_lowered  }
0x9b: {  	s22 =	simm.s32 $0x1BFF;
	s21 =	sshll.u32 s5, $0x1;
	s2 =	sadd.s32 s19, s18  }
0x9c: {  	s6 =	simm.s32 $0x0;
	s20 =	sshll.u32 s4, $0x1;
	s4 =	sadd.s32 s21, s2  }
0x9d: {  	[timem:s6], [sflag:s22] =	dma.local [hbm:s4], s20  }
0x9e: {  	_ =	swait.ge [sflag:s22], s20  }
0x9f: {  	s3 =	ssub.s32 $0x0, s20;
	[sflag:s22] =	ssyncset.done $0x0  }
0xa0: {  	[sflag:s22] =	ssyncadd.s32 s3;
	_ =	sdelay $0x1  }
0xa1: {  	s23 =	simm.s32 $0x1B8B  }
0xa2: {  	_ =	swait.ge [sflag:s23], $0x1  }
0xa3: {  	[sflag:s23] =	ssyncset.done $0x0  }
0xa4: {  	s25 =	simm.s32 $0x1B8E;
	s24 =	sld [smem:$0x3FFE];
	[sflag:s23] =	ssyncadd.s32 $0xFFFFFFFF  }
0xa5: {  	s26 =	simm.s32 $execute0_lowered;
	[smem:$0x3FD2] =	sst s25  }
0xa6: {  	s4 =	sshll.u32 s26, $0x1;
	_ =	strace $0x80000049;
	[dreg:$0x1] =	wrdreg $0xFFFFFFFF  }
0xa7: {  	s28 =	simm.s32 $_size_execute0_lowered;
	s2 =	sadd.s32 s2, s4;
	[dreg:$0x0] =	wrdreg $0x0  }
0xa8: {  	s4 =	sshll.u32 s28, $0x1;
	[dreg:$0x2] =	wrdreg s2  }
0xa9: {  	[dreg:$0x3] =	wrdreg s4  }
0xaa: {  	[dreg:$0x4] =	wrdreg $0xC0  }
0xab: {  	_ =	task [dreg:s6], $0x5FFFF  }
0xac: {  	[dreg:$0x1] =	wrdreg $0xFFFFFFFF  }
0xad: {  	[dreg:$0x0] =	wrdreg $0x60  }
0xae: {  	[dreg:$0x2] =	wrdreg s24  }
0xaf: {  	[dreg:$0x3] =	wrdreg $0x9  }
0xb0: {  	_ =	task.clear_ibuf [dreg:s6], $0x4FFFF;
	_ =	strace $0x90000049  }
0xb1: {  	s29 =	simm.s32 $0x9;
	_ =	strace $0x80000052  }
0xb2: {  	_ =	swait.ge [sflag:s29], $0x1  }
0xb3: {  	[sflag:s29] =	ssyncadd.s32 $0xFFFFFFFF  }
0xb4: {  	_ =	strace $0x90000052  }
0xb5: {  	_ =	sfence  }
0xb6: {  	s30 =	sld [smem:$0x0];
	_ =	sdelay $0x2  }
0xb7: {  	s31 =	sshll.u32 s1, $0xD;
	s1 =	sshrl.u32 s1, $0x2  }
0xb8: {  	s3 =	sand.u32 $0x4000, s31;
	s1 =	sadd.s32 s1, s30  }
0xb9: {  	s0 =	sor.u32 s3, s0;
	s1 =	sshll.u32 s1, $0x11  }
0xba: {  	s0 =	sor.u32 s1, s0  }
0xbb: {  	s0 =	sadd.s32 $0x8F2B, s0  }
0xbc: {  	[sflag:s0] =	ssyncadd.remote.s32 $0x1  }
0xbd: {  	_ =	sfence.sel $0xFFFF  }
0xbe: {  	[dreg:$0x0] =	wrdreg $0xFFFFFFFF;
	(pc) =	sbr.abs _section_cstart, $3  }
0xbf: {  	[dreg:$0x1] =	wrdreg $0xFFFFFFFF  }
0xc0: {  	_ =	task.clear_ibuf [dreg:s6], $0x2FFFF;
	_ =	strace $0x9FFFFFFF  }
0xc1: {  	(tm) =	ssettm $0x7FFFFFFF  }
tec
execute0_lowered:
.L_overlay_start_1:
0x0: {  	(tag) =	ssettag $0x1  }
0x1: {  	s3 =	rddreg [dreg:$0x0]  }
0x2: {  	s0 =	rddreg [dreg:$0x1];
	s1 =	simm.s32 $0x0;
	s2 =	srdreg.scid  }
0x3: {  	s31 =	simm.s32 $0x80;
	s9 =	simm.s32 $0x4;
	s10 =	simm.s32 $0x0  }
0x4: {  	[smem:$0x7FF] =	sst s1;
	s4 =	sand.u32 $0x1, s2;
	s5 =	sadd.s32 $0x1A00, s3  }
0x5: {  	s2 =	stileid.u32;
	s29 =	sadd.s32 $0x76400, s3;
	s3 =	sadd.s32 $0x72800, s3  }
0x6: {  	_ =	strace $0x8000004A;
	s6 =	sshll.u32 s4, $0x4;
	[dreg:$0x2] =	wrdreg s5  }
0x7: {  	s4 =	ssub.s32 $0x2, s4;
	[dreg:$0x4] =	wrdreg s29;
	s28 =	sor.u32 s2, s6  }
0x8: {  	[dreg:$0x3] =	wrdreg s31;
	s7 =	sshrl.u32 s4, $0x1;
	s8 =	smul.u32 $0x1E0, s28  }
0x9: {  	s30 =	ssub.s32 s4, s7;
	s4 =	smul.u32 $0x1E, s28;
	s7 =	simm.s32 $0x1  }
0xa: {  	s6 =	smax.u32 s30, $0x1;
	s5 =	sadd.s32 s3, s8;
	s8 =	simm.s32 $0x5  }
.LBB2_1:
0xb: {  	_ =	strace $0x8000004B;
	s11 =	simm.s32 $0x1;
	p0 =	por $0x0, $0x0  }
0xc: {  	[tilespmem:s1], [sflag:$0x1] =	stream.linear.gather [hbm4b:s5+s1], $0x80, $0x200038;
	[tilespmem:$0x8100] =	vst v63  }
0xd: {  	s11 =	simm.s32 @p0 $0x0  }
0xe: {  	p4 =	por $0x1, $0x1;
	s20 =	sand.u32 $0x1, s1;
	p1 =	sne.s32 s11, $0x0  }
0xf: {  	p2 =	por $0x1, $0x1;
	s18 =	simm.s32 $0x1C;
	p0 =	por !p4, !p1  }
0x10: {  	s16 =	simm.s32 $0x0;
	p5 =	por $0x0, $0x0;
	p0 =	por !p0, !p0  }
0x11: {  	s23 =	sadd.s32 $0x0, s4;
	s30 =	sadd.s32 $0x1, s20;
	s12 =	sadd.s32 @p0 s4, s11  }
0x12: {  	_ =	strace $0x9000004B;
	s13 =	sand.u32 @p0 $0x1, s7;
	s12 =	sshll.u32 @p0 s12, $0x4  }
0x13: {  	_ =	strace @p0 $0x8000004C;
	s15 =	simm.s32 @p0 $0x0;
	s12 =	sand.u32 @p0 $0x1FFFFFF0, s12  }
0x14: {  	s14 =	sshll.u32 @p0 s13, $0x7;
	s13 =	sadd.s32 @p0 $0x1, s13;
	s12 =	sadd.s32 @p0 s3, s12  }
0x15: {  	[tilespmem:s14], [sflag:s13] =	stream.linear.gather @p0 [hbm4b:s12+s15], $0x80, $0x200038;
	[tilespmem:$0x8100] =	vst v63  }
0x16: {  	p3 =	por p2, p2;
	s21 =	sshll.u32 s20, $0xE;
	_ =	strace @p0 $0x9000004C  }
0x17: {  	s16 =	sand.u32 $0x80, s16;
	p2 =	por p5, p5;
	_ =	strace $0x8000004D  }
0x18: {  	s17 =	sadd.s32 $0x1, s11;
	s22 =	sor.u32 $0x100, s21;
	_ =	swait.ge [sflag:s30], $0x80  }
0x19: {  	s21 =	simm.s32 $0x1;
	p6 =	por p1, p1;
	[sflag:s30] =	ssyncset.done $0x0  }
0x1a: {  	p1 =	por p3, p3;
	p4 =	por $0x1, $0x1;
	[sflag:s30] =	ssyncadd.s32 $0xFFFFFF80  }
0x1b: {  	s12 =	simm.s32 $0x1D;
	s15 =	sand.u32 @!p3 $0x1, s1;
	_ =	strace $0x9000004D  }
0x1c: {  	s13 =	simm.s32 $0x1;
	p3 =	seq.s32 s17, $0x1E;
	_ =	strace $0x8000004E  }
0x1d: {  	s13 =	simm.s32 @!p0 $0x0;
	s17 =	simm.s32 @p3 $0x0;
	s19 =	rddreg [dreg:$0x3]  }
0x1e: {  	p0 =	por $0x0, $0x0;
	s14 =	sadd.s32 $0x1, s13;
	s31 =	rddreg [dreg:$0x2]  }
0x1f: {  	[tilespmem:s22], [sflag:$0x5] =	stream.indirect.gather [hbm4b:s31+s19], $0x80, s16, s19, $0x2000b8;
	[tilespmem:$0x8100] =	vst v63  }
0x20: {  	p3 =	sne.s32 s11, s17;
	s21 =	simm.s32 @!p0 $0x0;
	_ =	swait.ge [sflag:s8], $0x4000  }
0x21: {  	p5 =	por !p4, !p3;
	p4 =	por $0x0, $0x0;
	[sflag:s8] =	ssyncset.done $0x0  }
0x22: {  	s13 =	simm.s32 $0x0;
	p6 =	por p4, p6;
	[sflag:s8] =	ssyncadd.s32 $0xFFFFC000  }
0x23: {  	s16 =	simm.s32 $0x0;
	s19 =	simm.s32 $0x0;
	_ =	strace $0x9000004E  }
.LBB2_2:
0x24: {  	_ =	strace @p6 $0x8000004F;
	s13 =	sadd.s32 s21, s13;
	s21 =	smov.u32 s12  }
0x25: {  	s12 =	smov.u32 s18;
	s18 =	sadd.s32 $0xFFFFFFFF, s18;
	p0 =	por p3, p3  }
0x26: {  	s28 =	sshll.u32 @p6 s23, $0xB;
	s20 =	sadd.s32 @p6 $0x3, s20;
	s24 =	simm.s32 @!p0 $0x0  }
0x27: {  	s25 =	rddreg [dreg:$0x4];
	s28 =	sand.u32 @p6 $0x1FFFF800, s28;
	s24 =	simm.s32 @p0 $0x1  }
0x28: {  	s25 =	sadd.s32 @p6 s25, s28;
	s28 =	simm.s32 @p6 $0x0;
	p0 =	sne.s32 s18, $0x0  }
0x29: {  	[hbm4b:s25+s28] =	stream.linear.scatter @p6 [tilespmem:s22], [sflag:s20], $0x4000, $0x200038;
	[tilespmem:$0x8100] =	vst v63  }
0x2a: {  	s20 =	sadd.s32 @!p1 $0x3, s15;
	s15 =	simm.s32 @!p0 $0x0  }
0x2b: {  	s26 =	simm.s32 $0x1;
	[smem:$0x7FC] =	sst s24;
	s15 =	simm.s32 @p0 $0x1  }
0x2c: {  	s26 =	simm.s32 @!p6 $0x0;
	_ =	strace @p6 $0x9000004F;
	[smem:$0x7FD] =	sst s15  }
0x2d: {  	p5 =	por !p5, !p5;
	s19 =	sadd.s32 s26, s19;
	_ =	strace @!p1 $0x80000050  }
0x2e: {  	s24 =	sand.u32 @!p2 $0x1, s13;
	s22 =	sand.u32 @p5 $0x1, s14;
	_ =	swait.ge @!p1 [sflag:s20], $0x4000  }
0x2f: {  	s15 =	smov.u32 s24;
	s24 =	sadd.s32 @p5 s4, s17;
	[sflag:s20] =	ssyncset.done @!p1 $0x0  }
0x30: {  	s25 =	sshll.u32 @p5 s22, $0x7;
	s24 =	sshll.u32 @p5 s24, $0x4;
	[sflag:s20] =	ssyncadd.s32 @!p1 $0xFFFFC000  }
0x31: {  	s20 =	sadd.s32 @p5 $0x1, s22;
	s22 =	sand.u32 @p5 $0x1FFFFFF0, s24;
	_ =	strace @!p1 $0x90000050  }
0x32: {  	s24 =	simm.s32 @p5 $0x0;
	s22 =	sadd.s32 @p5 s3, s22;
	_ =	strace @p5 $0x8000004C  }
0x33: {  	[tilespmem:s25], [sflag:s20] =	stream.linear.gather @p5 [hbm4b:s22+s24], $0x80, $0x200038;
	[tilespmem:$0x8100] =	vst v63  }
0x34: {  	s16 =	sadd.s32 s26, s16;
	s26 =	sand.u32 $0x1, s19;
	_ =	strace @p5 $0x9000004C  }
0x35: {  	s24 =	sadd.s32 $0x1, s26;
	_ =	strace $0x8000004D  }
0x36: {  	_ =	swait.ge [sflag:s24], $0x80  }
0x37: {  	[sflag:s24] =	ssyncset.done $0x0  }
0x38: {  	s20 =	simm.s32 $0x1;
	[sflag:s24] =	ssyncadd.s32 $0xFFFFFF80  }
0x39: {  	s20 =	simm.s32 @!p5 $0x0;
	_ =	strace $0x9000004D  }
0x3a: {  	s14 =	sadd.s32 s20, s14;
	s20 =	sand.u32 $0x1, s16;
	_ =	strace $0x8000004E  }
0x3b: {  	s29 =	sshll.u32 s19, $0x7;
	s25 =	sshll.u32 s20, $0xE;
	s26 =	rddreg [dreg:$0x3]  }
0x3c: {  	s29 =	sand.u32 $0x80, s29;
	s22 =	sor.u32 $0x100, s25;
	s30 =	rddreg [dreg:$0x2]  }
0x3d: {  	[tilespmem:s22], [sflag:$0x5] =	stream.indirect.gather [hbm4b:s30+s26], $0x80, s29, s26, $0x2000b8;
	[tilespmem:$0x8100] =	vst v63  }
0x3e: {  	_ =	swait.ge [sflag:s8], $0x4000  }
0x3f: {  	s31 =	sadd.s32 $0x1, s17;
	[sflag:s8] =	ssyncset.done $0x0  }
0x40: {  	s23 =	sadd.s32 s4, s11;
	s11 =	smov.u32 s17;
	[sflag:s8] =	ssyncadd.s32 $0xFFFFC000  }
0x41: {  	p3 =	seq.s32 s31, $0x1E;
	s17 =	smov.u32 s31;
	_ =	strace $0x9000004E  }
0x42: {  	s17 =	simm.s32 @p3 $0x0;
	s31 =	sld [smem:$0x7FD]  }
0x43: {  	p6 =	sne.s32 s12, $0x1;
	p0 =	sne.s32 s21, $0x1E;
	p3 =	sne.s32 s11, s17  }
0x44: {  	p5 =	por !p6, !p3;
	p6 =	seq.s32 s21, $0x1;
	s21 =	simm.s32 $0x1  }
0x45: {  	s21 =	simm.s32 @!p0 $0x0;
	p0 =	seq.s32 s31, $0x1  }
.Ltmp0:
0x46: {  	s30 =	sld [smem:$0x7FC];
	(pc) =	sbr.rel @p0 .LBB2_2-.Ltmp0, $4  }
0x47: {  	_ = 	snop  }
0x48: {  	p4 =	seq.s32 s12, $0x1E  }
0x49: {  	p1 =	por p2, p2;
	p2 =	por p4, p4;
	p4 =	seq.s32 s30, $0x1  }
0x4a: {  	p6 =	por p6, p4  }
0x4b: {  	_ =	strace @p6 $0x8000004F;
	s23 =	sshll.u32 @p6 s23, $0xB  }
0x4c: {  	s18 =	rddreg [dreg:$0x4];
	s23 =	sand.u32 @p6 $0x1FFFF800, s23  }
0x4d: {  	s20 =	sadd.s32 @p6 $0x3, s20;
	s18 =	sadd.s32 @p6 s18, s23;
	s23 =	simm.s32 @p6 $0x0  }
0x4e: {  	[hbm4b:s18+s23] =	stream.linear.scatter @p6 [tilespmem:s22], [sflag:s20], $0x4000, $0x200038;
	[tilespmem:$0x8100] =	vst v63  }
0x4f: {  	p0 =	por !p5, !p5;
	_ =	strace @p6 $0x9000004F  }
0x50: {  	s15 =	sadd.s32 @!p1 $0x3, s15;
	s17 =	sadd.s32 @p0 s4, s17;
	_ =	strace @!p1 $0x80000050  }
0x51: {  	s14 =	sand.u32 @p0 $0x1, s14;
	s17 =	sshll.u32 @p0 s17, $0x4;
	_ =	swait.ge @!p1 [sflag:s15], $0x4000  }
0x52: {  	s18 =	simm.s32 $0x1;
	s20 =	sshll.u32 @p0 s14, $0x7;
	[sflag:s15] =	ssyncset.done @!p1 $0x0  }
0x53: {  	s14 =	sadd.s32 @p0 $0x1, s14;
	s18 =	simm.s32 @!p6 $0x0;
	[sflag:s15] =	ssyncadd.s32 @!p1 $0xFFFFC000  }
0x54: {  	s19 =	sadd.s32 s18, s19;
	s15 =	sand.u32 @p0 $0x1FFFFFF0, s17;
	_ =	strace @!p1 $0x90000050  }
0x55: {  	s17 =	simm.s32 @p0 $0x0;
	s15 =	sadd.s32 @p0 s3, s15;
	_ =	strace @p0 $0x8000004C  }
0x56: {  	[tilespmem:s20], [sflag:s14] =	stream.linear.gather @p0 [hbm4b:s15+s17], $0x80, $0x200038;
	[tilespmem:$0x8100] =	vst v63  }
0x57: {  	s25 =	sand.u32 $0x1, s19;
	_ =	strace @p0 $0x9000004C  }
0x58: {  	s14 =	sadd.s32 $0x1, s25;
	_ =	strace $0x8000004D  }
0x59: {  	_ =	swait.ge [sflag:s14], $0x80  }
0x5a: {  	[sflag:s14] =	ssyncset.done $0x0  }
0x5b: {  	[sflag:s14] =	ssyncadd.s32 $0xFFFFFF80  }
0x5c: {  	s26 =	sadd.s32 s18, s16;
	_ =	strace $0x9000004D  }
0x5d: {  	s14 =	sand.u32 $0x1, s26;
	_ =	strace $0x8000004E  }
0x5e: {  	s30 =	sshll.u32 s19, $0x7;
	s31 =	sshll.u32 s14, $0xE;
	s28 =	rddreg [dreg:$0x3]  }
0x5f: {  	s17 =	sand.u32 $0x80, s30;
	s18 =	sor.u32 $0x100, s31;
	s29 =	rddreg [dreg:$0x2]  }
0x60: {  	[tilespmem:s18], [sflag:$0x5] =	stream.indirect.gather [hbm4b:s29+s28], $0x80, s17, s28, $0x2000b8;
	[tilespmem:$0x8100] =	vst v63  }
0x61: {  	_ =	swait.ge [sflag:s8], $0x4000  }
0x62: {  	[sflag:s8] =	ssyncset.done $0x0  }
0x63: {  	p5 =	por p3, p3;
	p6 =	seq.s32 s12, $0x1;
	[sflag:s8] =	ssyncadd.s32 $0xFFFFC000  }
0x64: {  	s11 =	sadd.s32 s4, s11;
	p0 =	por p6, p5;
	_ =	strace $0x9000004E  }
0x65: {  	s11 =	sshll.u32 @p0 s11, $0xB;
	_ =	strace @p0 $0x8000004F  }
0x66: {  	s13 =	sadd.s32 s21, s13;
	s11 =	sand.u32 @p0 $0x1FFFF800, s11;
	s12 =	rddreg [dreg:$0x4]  }
0x67: {  	s14 =	sadd.s32 @p0 $0x3, s14;
	s11 =	sadd.s32 @p0 s12, s11;
	s12 =	simm.s32 @p0 $0x0  }
0x68: {  	[hbm4b:s11+s12] =	stream.linear.scatter @p0 [tilespmem:s18], [sflag:s14], $0x4000, $0x200038;
	[tilespmem:$0x8100] =	vst v63  }
0x69: {  	p1 =	por p2, p2;
	s11 =	sand.u32 @!p2 $0x1, s13;
	_ =	strace @p0 $0x9000004F  }
0x6a: {  	s11 =	sadd.s32 @!p1 $0x3, s11;
	_ =	strace @!p1 $0x80000050  }
0x6b: {  	_ =	swait.ge @!p1 [sflag:s11], $0x4000  }
0x6c: {  	[sflag:s11] =	ssyncset.done @!p1 $0x0  }
0x6d: {  	s10 =	sadd.s32 $0x1, s10;
	[sflag:s11] =	ssyncadd.s32 @!p1 $0xFFFFC000  }
0x6e: {  	p0 =	sne.s32 s10, s6;
	_ =	strace @!p1 $0x90000050  }
.Ltmp1:
0x6f: {  	_ =	strace $0x80000051;
	(pc) =	sbr.rel @p0 .LBB2_1-.Ltmp1, $4  }
0x70: {  	_ =	swait.ge [sflag:s9], $0x4000  }
0x71: {  	[sflag:s9] =	ssyncset.done $0x0  }
0x72: {  	[sflag:s9] =	ssyncadd.s32 $0xFFFFC000  }
0x73: {  	_ =	strace $0x90000051  }
0x74: {  	_ =	sfence.sel $0x180000  }
0x75: {  	[bflag:$0x0] =	sbarrier.arrive $0xFFFF  }
0x76: {  	p0 =	sne.s32 s2, $0x0;
	_ =	strace $0x9000004A  }
0x77: {  	s0 =	sadd.s32 @!p0 $0x100000, s0;
	[bflag:$0x2] =	sbarrier.arrive $0xFFFF  }
0x78: {  	[sflag:s0] =	ssyncadd.tile.s32 @!p0 $0x1;
	_ =	shalt  }
.Lfunc_end2:
_tile_overlayer_lowered:
.L_overlay_start_2:
0x79: {  	(tag) =	ssettag $0x2  }
0x7a: {  	s0 =	rddreg [dreg:$0x0];
	s2 =	stileid.u32  }
0x7b: {  	s1 =	rddreg [dreg:$0x1];
	p0 =	sne.s32 s2, $0x0  }
0x7c: {  	s3 =	rddreg [dreg:$0x2];
	[bflag:$0x3] =	sbarrier.arrive $0xFFFF;
	s2 =	simm.s32 @!p0 $0x1C01  }
0x7d: {  	[timem:s3], [sflag:s2] =	dma.local @!p0 [hbm:s0], s1  }
0x7e: {  	s0 =	simm.s32 @!p0 $0x1  }
0x7f: {  	_ =	swait.ge @!p0 [sflag:s0], s1  }
0x80: {  	s1 =	ssub.s32 @!p0 $0x0, s1;
	[sflag:s0] =	ssyncset.done @!p0 $0x0  }
0x81: {  	[sflag:s0] =	ssyncadd.s32 @!p0 s1  }
0x82: {  	[bflag:$0x3] =	sbarrier.arrive $0xFFFF  }
0x83: {  	_ =	shalt  }

</sc_bundles>
